<compile_context>
chip_gen: v7x
topology: tpu7x:2x2x1
jax: 0.10.2.dev20260603
libtpu: 0.0.44.dev20260713+nightly
codegen_flags: <defaults>
</compile_context>

<pallas_src>
import jax
import jax.numpy as jnp
from jax import lax
from jax.experimental import pallas as pl
from jax.experimental.pallas import tpu as pltpu
from jax.experimental.pallas import tpu_sc as plsc

B, F, D, NI, NU = 16384, 256, 128, 1000, 16384
NFLAT = NI * NU
BB = 1024
NBLK = B // BB

NW = 32
REG = NFLAT // NW
ZCH = 16000
NZ = REG // ZCH
NRING = 3


def _ratings_kernel(idx_ref, uf_ref, wu_ref, bu_ref, tab_ref, waff_ref,
                    baff_ref, out_ref, logits_ref, acc_ref):
    i = pl.program_id(0)

    @pl.when(i == 0)
    def _init():
        acc_ref[0] = 0.0
        acc_ref[1] = 0.0

    @pl.when(i < NBLK)
    def _compute():
        idx = idx_ref[0, 0, :]
        onehot = (idx[:, None] ==
                  lax.broadcasted_iota(jnp.int32, (BB, NI), 1)
                  ).astype(jnp.bfloat16)
        g = jnp.dot(onehot, tab_ref[...].astype(jnp.bfloat16),
                    preferred_element_type=jnp.float32)
        a = jnp.dot(uf_ref[...].astype(jnp.bfloat16),
                    wu_ref[...].astype(jnp.bfloat16),
                    preferred_element_type=jnp.float32) + bu_ref[...]
        prod = a * g
        l = jnp.sum(prod * waff_ref[...], axis=1) + baff_ref[0, 0]
        logits_ref[pl.ds(i, 1), :] = l[None, :]
        acc_ref[0] += jnp.sum(l)
        acc_ref[1] += jnp.sum(l * l)

    @pl.when(i == NBLK)
    def _finalize():
        s = acc_ref[0]
        q = acc_ref[1]
        mean = s / B
        var = (q - s * s / B) / (B - 1)
        rstd = 1.0 / (jnp.sqrt(var) + 1e-5)
        z = (logits_ref[...] - mean) * rstd
        out_ref[...] = 1.0 / (1.0 + jnp.exp(-z))


def _compute_ratings(item_idx, uf, wu, bu, tab, waff, baff):
    idx3 = item_idx.reshape(NBLK, 1, BB)
    bu2 = bu.reshape(1, D)
    waff2 = waff.reshape(1, D)
    baff2 = baff.reshape(1, 1)
    last = NBLK - 1
    return pl.pallas_call(
        _ratings_kernel,
        grid=(NBLK + 1,),
        in_specs=[
            pl.BlockSpec((1, 1, BB), lambda i: (jnp.minimum(i, last), 0, 0)),
            pl.BlockSpec((BB, F), lambda i: (jnp.minimum(i, last), 0)),
            pl.BlockSpec((F, D), lambda i: (0, 0)),
            pl.BlockSpec((1, D), lambda i: (0, 0)),
            pl.BlockSpec((NI, D), lambda i: (0, 0)),
            pl.BlockSpec((1, D), lambda i: (0, 0)),
            pl.BlockSpec((1, 1), lambda i: (0, 0)),
        ],
        out_specs=pl.BlockSpec((NBLK, BB), lambda i: (0, 0)),
        out_shape=jax.ShapeDtypeStruct((NBLK, BB), jnp.float32),
        scratch_shapes=[
            pltpu.VMEM((NBLK, BB), jnp.float32),
            pltpu.SMEM((2,), jnp.float32),
        ],
    )(idx3, uf, wu, bu2, tab, waff2, baff2).reshape(B)


def _sc_scatter_body(soff_hbm, perm_hbm, rat_hbm, bnd_hbm, out_hbm,
                     zbuf, offv, permv, ratv, bndv, zsem):
    wid = lax.axis_index("s") * 2 + lax.axis_index("c")
    base = wid * REG

    pltpu.sync_copy(soff_hbm, offv.at[pl.ds(0, B)])
    pltpu.sync_copy(perm_hbm, permv.at[pl.ds(0, B)])
    pltpu.sync_copy(rat_hbm, ratv)
    pltpu.sync_copy(bnd_hbm, bndv)

    bpair = bndv[pl.ds(wid, 16)]
    start = bpair[0]
    end = bpair[1]

    one16 = jnp.full((16,), 1, jnp.int32)
    zero16i = jnp.zeros((16,), jnp.int32)
    lanes = lax.iota(jnp.int32, 16)
    basev = jnp.full((16,), base, jnp.int32)
    startv = jnp.full((16,), start, jnp.int32)
    endv = jnp.full((16,), end, jnp.int32)

    def _compact(j, cnt):
        o = offv[pl.ds(j * 16, 16)]
        gidx = lanes + jnp.full((16,), j * 16, jnp.int32)
        m = (gidx >= startv) & (gidx < endv) & (o >= zero16i)
        p = permv[pl.ds(j * 16, 16)]
        v = plsc.load_gather(ratv, [p])
        ps = plsc.cumsum(jnp.where(m, one16, zero16i))
        pos = (ps - one16) + jnp.full((16,), cnt, jnp.int32)
        plsc.store_scatter(offv, [pos], o - basev, mask=m)
        plsc.store_scatter(permv, [pos], plsc.bitcast(v, jnp.int32), mask=m)
        return cnt + ps[15]

    cnt = lax.fori_loop(start // 16, (end + 15) // 16, _compact,
                        jnp.int32(0))
    nv = (cnt + 15) // 16

    @pl.when(cnt > 0)
    def _pad():
        lastv_o = offv[pl.ds(cnt - 1, 16)][0]
        lastv_p = permv[pl.ds(cnt - 1, 16)][0]
        j = (cnt - 1) // 16
        m = lanes < jnp.full((16,), cnt - j * 16, jnp.int32)
        offv[pl.ds(j * 16, 16)] = jnp.where(
            m, offv[pl.ds(j * 16, 16)], jnp.full((16,), lastv_o, jnp.int32))
        permv[pl.ds(j * 16, 16)] = jnp.where(
            m, permv[pl.ds(j * 16, 16)], jnp.full((16,), lastv_p, jnp.int32))

    zero16 = jnp.zeros((16,), jnp.float32)

    def _memset(j, c2):
        for t in range(16):
            zbuf[pl.ds(j * 256 + t * 16, 16)] = zero16
        return c2

    lax.fori_loop(0, (NRING * ZCH) // 256, _memset, 0)

    def _emit(k, carry):
        boff = (k % NRING) * ZCH
        boffv = jnp.full((16,), boff, jnp.int32)

        @pl.when(k >= NRING)
        def _clean_prev():
            pltpu.make_async_copy(
                zbuf.at[pl.ds(0, ZCH)], out_hbm.at[pl.ds(base, ZCH)],
                zsem).wait()
            plo = jnp.full((16,), (k - NRING) * ZCH, jnp.int32)
            phi = jnp.full((16,), (k - NRING + 1) * ZCH, jnp.int32)

            def _unzero(j, c2):
                rel = offv[pl.ds(j * 16, 16)]
                m = (rel >= plo) & (rel < phi)
                plsc.store_scatter(zbuf, [(rel - plo) + boffv], zero16,
                                   mask=m)
                return c2

            lax.fori_loop(0, nv, _unzero, 0)

        wlo = jnp.full((16,), k * ZCH, jnp.int32)
        whi = jnp.full((16,), (k + 1) * ZCH, jnp.int32)

        def _insert(j, c2):
            rel = offv[pl.ds(j * 16, 16)]
            m = (rel >= wlo) & (rel < whi)
            val = plsc.bitcast(permv[pl.ds(j * 16, 16)], jnp.float32)
            plsc.store_scatter(zbuf, [(rel - wlo) + boffv], val, mask=m)
            return c2

        lax.fori_loop(0, nv, _insert, 0)

        pltpu.async_copy(zbuf.at[pl.ds(boff, ZCH)],
                         out_hbm.at[pl.ds(base + k * ZCH, ZCH)], zsem)
        return carry

    lax.fori_loop(0, NZ, _emit, 0)

    def _drain(k, carry):
        pltpu.make_async_copy(
            zbuf.at[pl.ds(0, ZCH)], out_hbm.at[pl.ds(base, ZCH)],
            zsem).wait()
        return carry

    lax.fori_loop(0, NRING, _drain, 0)


def _sc_scatter(soff_sorted, perm, ratings, bounds):
    mesh = plsc.VectorSubcoreMesh(core_axis_name="c", subcore_axis_name="s",
                                  num_cores=2, num_subcores=16)
    kern = pl.kernel(
        _sc_scatter_body,
        out_type=jax.ShapeDtypeStruct((NFLAT,), jnp.float32),
        mesh=mesh,
        compiler_params=pltpu.CompilerParams(needs_layout_passes=False),
        scratch_types=[
            pltpu.VMEM((NRING * ZCH,), jnp.float32),
            pltpu.VMEM((B + 16,), jnp.int32),
            pltpu.VMEM((B + 16,), jnp.int32),
            pltpu.VMEM((B,), jnp.float32),
            pltpu.VMEM((NW + 16,), jnp.int32),
            pltpu.SemaphoreType.DMA,
        ],
    )
    return kern(soff_sorted, perm, ratings, bounds)


def kernel(user_features, item_indices, user_indices, W_user, b_user,
           item_table, W_aff, b_aff):
    ii = item_indices.astype(jnp.int32)
    ui = user_indices.astype(jnp.int32)
    flat = ii * NU + ui

    iotaf = lax.iota(jnp.float32, B)
    ks, vs = lax.sort((flat, iotaf), num_keys=1, is_stable=False)
    is_last = jnp.concatenate(
        [ks[1:] != ks[:-1], jnp.ones((1,), jnp.bool_)])
    soff_sorted = jnp.where(is_last, ks, -1)
    perm = vs.astype(jnp.int32)
    bounds = jnp.searchsorted(
        ks, jnp.arange(NW + 1, dtype=jnp.int32) * REG).astype(jnp.int32)
    bounds = jnp.concatenate(
        [bounds, jnp.zeros((15,), jnp.int32)])

    ratings = _compute_ratings(ii, user_features, W_user, b_user,
                               item_table, W_aff, b_aff)
    c = _sc_scatter(soff_sorted, perm, ratings, bounds)
    return c.reshape(1, NI, NU)

# --- scband reference (transcript-rebuilt; emitter-appended) ---
"""Pipeline reference for scband-gmfwrapper-58720792871646 (READ-ONLY COPY).

The authoritative reference and input builder live on the scoring server;
editing this copy changes nothing except your own understanding.
"""

import jax, jax.numpy as jnp
import numpy as np

B, F, D, NI, NU = 16384, 256, 128, 1000, 16384

def setup_inputs(seed: int = 0) -> dict:
    key = jax.random.key(seed)
    ks = jax.random.split(key, 8)
    return {
        "user_features": jax.random.normal(ks[0], (B, F), dtype=jnp.float32),
        "item_indices": jax.random.randint(ks[1], (B,), 0, NI, dtype=jnp.int64) if jax.config.jax_enable_x64 else jax.random.randint(ks[1], (B,), 0, NI).astype(jnp.int32),
        "user_indices": jax.random.randint(ks[2], (B,), 0, NU, dtype=jnp.int64) if jax.config.jax_enable_x64 else jax.random.randint(ks[2], (B,), 0, NU).astype(jnp.int32),
        "W_user": jax.random.normal(ks[3], (F, D), dtype=jnp.float32) * 0.02,
        "b_user": jnp.zeros((D,), dtype=jnp.float32),
        "item_table": jax.random.normal(ks[4], (NI, D), dtype=jnp.float32) * 0.02,
        "W_aff": jax.random.normal(ks[5], (D, 1), dtype=jnp.float32) * 0.02,
        "b_aff": jnp.zeros((1,), dtype=jnp.float32),
    }

def reference(user_features, item_indices, user_indices, W_user, b_user, item_table, W_aff, b_aff):
    # Feature2Embedding modeled as a linear projection (user tower)
    user_emb = user_features @ W_user + b_user
    # id2index modeled as identity mapping; embedding lookup for items
    item_emb = jnp.take(item_table, item_indices, axis=0)
    element_product = user_emb * item_emb
    logits = element_product @ W_aff + b_aff
    # standardize logits (torch.std is unbiased -> ddof=1)
    logits = (logits - jnp.mean(logits)) / (jnp.std(logits, ddof=1) + 1e-5)
    ratings = jax.nn.sigmoid(logits)[:, 0]
    # scatter-overwrite ratings into dense (1, n_items, n_users) matrix
    c = jnp.zeros((1, NI, NU), dtype=jnp.float32)
    c = c.at[0, item_indices, user_indices].set(ratings)
    return c

if __name__ == "__main__":
    import jax
    _d = setup_inputs()
    print(jax.jit(kernel)(*tuple(_d.values())))

</pallas_src>

<mosaic_0001>
#map = affine_map<(d0, d1) -> (0)>
module attributes {stable_mosaic.version = 14 : i64} {
  func.func @_sc_scatter_body(%arg0: i32, %arg1: i32, %arg2: memref<16384xi32, #tpu.memory_space<hbm>>, %arg3: memref<16384xi32, #tpu.memory_space<hbm>>, %arg4: memref<16384xf32, #tpu.memory_space<hbm>>, %arg5: memref<48xi32, #tpu.memory_space<hbm>>, %arg6: memref<16384000xf32, #tpu.memory_space<hbm>>, %arg7: memref<48000xf32, #tpu.memory_space<vmem>>, %arg8: memref<16400xi32, #tpu.memory_space<vmem>>, %arg9: memref<16400xi32, #tpu.memory_space<vmem>>, %arg10: memref<16384xf32, #tpu.memory_space<vmem>>, %arg11: memref<48xi32, #tpu.memory_space<vmem>>, %arg12: memref<!tpu.dma_semaphore, #tpu.memory_space<semaphore_mem>>) attributes {dimension_semantics = [#tpu.dimension_semantics<core_parallel>, #tpu.dimension_semantics<subcore_parallel>], iteration_bounds = array<i64: 2, 16>, scalar_prefetch = 0 : i64, scratch_operands = 6 : i64, tpu.core_type = #tpu.core_type<sc_vector_subcore>, window_params = [{transform_indices = #map}, {transform_indices = #map}, {transform_indices = #map}, {transform_indices = #map}, {transform_indices = #map}]} {
    %mul3A = arith.constant 2 : i32
    %mul3A_0 = arith.muli %arg1, %mul3A : i32
    %add3A = arith.addi %mul3A_0, %arg0 : i32
    %mul3A_1 = arith.constant 512000 : i32
    %mul3A_2 = arith.muli %add3A, %mul3A_1 : i32
    "tpu.region"() ({
      %run_scoped3A = tpu.sem_alloc : memref<!tpu.dma_semaphore, #tpu.memory_space<semaphore_mem>>
      %dma_start3A = arith.constant 0 : i32
      %dma_start3A_111 = tpu.memref_slice %arg8[%dma_start3A] : memref<16400xi32, #tpu.memory_space<vmem>> -> memref<16384xi32, #tpu.memory_space<vmem>>
      %dma_start3A_112 = arith.constant 0 : i32
      %dma_start3A_113 = tpu.memref_slice %arg8[%dma_start3A_112] : memref<16400xi32, #tpu.memory_space<vmem>> -> memref<16384xi32, #tpu.memory_space<vmem>>
      tpu.enqueue_dma source(%arg2 : memref<16384xi32, #tpu.memory_space<hbm>>) target(%dma_start3A_113 : memref<16384xi32, #tpu.memory_space<vmem>>) target_semaphore(%run_scoped3A : memref<!tpu.dma_semaphore, #tpu.memory_space<semaphore_mem>>)
      %dma_wait3A = arith.constant 0 : i32
      %dma_wait3A_114 = tpu.memref_slice %arg8[%dma_wait3A] : memref<16400xi32, #tpu.memory_space<vmem>> -> memref<16384xi32, #tpu.memory_space<vmem>>
      %dma_wait3A_115 = arith.constant 0 : i32
      %dma_wait3A_116 = tpu.memref_slice %arg8[%dma_wait3A_115] : memref<16400xi32, #tpu.memory_space<vmem>> -> memref<16384xi32, #tpu.memory_space<vmem>>
      tpu.wait_dma2 semaphore(%run_scoped3A : memref<!tpu.dma_semaphore, #tpu.memory_space<semaphore_mem>>) src(%arg2 : memref<16384xi32, #tpu.memory_space<hbm>>) dst(%dma_wait3A_116 : memref<16384xi32, #tpu.memory_space<vmem>>)
      tpu.yield
    }) : () -> ()
    "tpu.region"() ({
      %run_scoped3A = tpu.sem_alloc : memref<!tpu.dma_semaphore, #tpu.memory_space<semaphore_mem>>
      %dma_start3A = arith.constant 0 : i32
      %dma_start3A_111 = tpu.memref_slice %arg9[%dma_start3A] : memref<16400xi32, #tpu.memory_space<vmem>> -> memref<16384xi32, #tpu.memory_space<vmem>>
      %dma_start3A_112 = arith.constant 0 : i32
      %dma_start3A_113 = tpu.memref_slice %arg9[%dma_start3A_112] : memref<16400xi32, #tpu.memory_space<vmem>> -> memref<16384xi32, #tpu.memory_space<vmem>>
      tpu.enqueue_dma source(%arg3 : memref<16384xi32, #tpu.memory_space<hbm>>) target(%dma_start3A_113 : memref<16384xi32, #tpu.memory_space<vmem>>) target_semaphore(%run_scoped3A : memref<!tpu.dma_semaphore, #tpu.memory_space<semaphore_mem>>)
      %dma_wait3A = arith.constant 0 : i32
      %dma_wait3A_114 = tpu.memref_slice %arg9[%dma_wait3A] : memref<16400xi32, #tpu.memory_space<vmem>> -> memref<16384xi32, #tpu.memory_space<vmem>>
      %dma_wait3A_115 = arith.constant 0 : i32
      %dma_wait3A_116 = tpu.memref_slice %arg9[%dma_wait3A_115] : memref<16400xi32, #tpu.memory_space<vmem>> -> memref<16384xi32, #tpu.memory_space<vmem>>
      tpu.wait_dma2 semaphore(%run_scoped3A : memref<!tpu.dma_semaphore, #tpu.memory_space<semaphore_mem>>) src(%arg3 : memref<16384xi32, #tpu.memory_space<hbm>>) dst(%dma_wait3A_116 : memref<16384xi32, #tpu.memory_space<vmem>>)
      tpu.yield
    }) : () -> ()
    "tpu.region"() ({
      %run_scoped3A = tpu.sem_alloc : memref<!tpu.dma_semaphore, #tpu.memory_space<semaphore_mem>>
      tpu.enqueue_dma source(%arg4 : memref<16384xf32, #tpu.memory_space<hbm>>) target(%arg10 : memref<16384xf32, #tpu.memory_space<vmem>>) target_semaphore(%run_scoped3A : memref<!tpu.dma_semaphore, #tpu.memory_space<semaphore_mem>>)
      tpu.wait_dma2 semaphore(%run_scoped3A : memref<!tpu.dma_semaphore, #tpu.memory_space<semaphore_mem>>) src(%arg4 : memref<16384xf32, #tpu.memory_space<hbm>>) dst(%arg10 : memref<16384xf32, #tpu.memory_space<vmem>>)
      tpu.yield
    }) : () -> ()
    "tpu.region"() ({
      %run_scoped3A = tpu.sem_alloc : memref<!tpu.dma_semaphore, #tpu.memory_space<semaphore_mem>>
      tpu.enqueue_dma source(%arg5 : memref<48xi32, #tpu.memory_space<hbm>>) target(%arg11 : memref<48xi32, #tpu.memory_space<vmem>>) target_semaphore(%run_scoped3A : memref<!tpu.dma_semaphore, #tpu.memory_space<semaphore_mem>>)
      tpu.wait_dma2 semaphore(%run_scoped3A : memref<!tpu.dma_semaphore, #tpu.memory_space<semaphore_mem>>) src(%arg5 : memref<48xi32, #tpu.memory_space<hbm>>) dst(%arg11 : memref<48xi32, #tpu.memory_space<vmem>>)
      tpu.yield
    }) : () -> ()
    %get3A = arith.index_cast %add3A : i32 to index
    %get3A_3 = tpu.vector_load %arg11[%get3A] {strides = array<i32>} : memref<48xi32, #tpu.memory_space<vmem>>, vector<16xi32>,
    %slice3A = vector.extract_strided_slice %get3A_3 {offsets = [0], sizes = [1], strides = [1]} : vector<16xi32> to vector<1xi32>
    %squeeze3A = vector.extract %slice3A[0] : i32 from vector<1xi32>
    %slice3A_4 = vector.extract_strided_slice %get3A_3 {offsets = [1], sizes = [1], strides = [1]} : vector<16xi32> to vector<1xi32>
    %squeeze3A_5 = vector.extract %slice3A_4[0] : i32 from vector<1xi32>
    %broadcast_in_dim3A = arith.constant 1 : i32
    %broadcast_in_dim3A_6 = vector.broadcast %broadcast_in_dim3A : i32 to vector<16xi32>
    %broadcast_in_dim3A_7 = arith.constant 0 : i32
    %broadcast_in_dim3A_8 = vector.broadcast %broadcast_in_dim3A_7 : i32 to vector<16xi32>
    %iota3A = tpu.iota {dimensions = array<i32: 0>} : vector<16xi32>
    %broadcast_in_dim3A_9 = vector.broadcast %mul3A_2 : i32 to vector<16xi32>
    %broadcast_in_dim3A_10 = vector.broadcast %squeeze3A : i32 to vector<16xi32>
    %broadcast_in_dim3A_11 = vector.broadcast %squeeze3A_5 : i32 to vector<16xi32>
    %jit3A = arith.constant 16 : i32
    %div3A = arith.divsi %squeeze3A, %jit3A : i32
    %sign3A = arith.constant 0 : i32
    %sign3A_12 = arith.cmpi sgt, %squeeze3A, %sign3A : i32
    %sign3A_13 = arith.extui %sign3A_12 : i1 to i32
    %sign3A_14 = arith.constant 0 : i32
    %sign3A_15 = arith.cmpi slt, %squeeze3A, %sign3A_14 : i32
    %sign3A_16 = arith.extui %sign3A_15 : i1 to i32
    %sign3A_17 = arith.subi %sign3A_13, %sign3A_16 : i32
    %sign3A_18 = arith.constant 0 : i32
    %sign3A_19 = arith.cmpi sgt, %jit3A, %sign3A_18 : i32
    %sign3A_20 = arith.extui %sign3A_19 : i1 to i32
    %sign3A_21 = arith.constant 0 : i32
    %sign3A_22 = arith.cmpi slt, %jit3A, %sign3A_21 : i32
    %sign3A_23 = arith.extui %sign3A_22 : i1 to i32
    %sign3A_24 = arith.subi %sign3A_20, %sign3A_23 : i32
    %ne3A = arith.cmpi ne, %sign3A_17, %sign3A_24 : i32
    %rem3A = arith.remsi %squeeze3A, %jit3A : i32
    %ne3A_25 = arith.constant 0 : i32
    %ne3A_26 = arith.cmpi ne, %rem3A, %ne3A_25 : i32
    %and3A = arith.andi %ne3A, %ne3A_26 : i1
    %sub3A = arith.constant 1 : i32
    %sub3A_27 = arith.subi %div3A, %sub3A : i32
    %select_n3A = arith.select %and3A, %sub3A_27, %div3A : i32
    %add3A_28 = arith.constant 15 : i32
    %add3A_29 = arith.addi %squeeze3A_5, %add3A_28 : i32
    %jit3A_30 = arith.constant 16 : i32
    %div3A_31 = arith.divsi %add3A_29, %jit3A_30 : i32
    %sign3A_32 = arith.constant 0 : i32
    %sign3A_33 = arith.cmpi sgt, %add3A_29, %sign3A_32 : i32
    %sign3A_34 = arith.extui %sign3A_33 : i1 to i32
    %sign3A_35 = arith.constant 0 : i32
    %sign3A_36 = arith.cmpi slt, %add3A_29, %sign3A_35 : i32
    %sign3A_37 = arith.extui %sign3A_36 : i1 to i32
    %sign3A_38 = arith.subi %sign3A_34, %sign3A_37 : i32
    %sign3A_39 = arith.constant 0 : i32
    %sign3A_40 = arith.cmpi sgt, %jit3A_30, %sign3A_39 : i32
    %sign3A_41 = arith.extui %sign3A_40 : i1 to i32
    %sign3A_42 = arith.constant 0 : i32
    %sign3A_43 = arith.cmpi slt, %jit3A_30, %sign3A_42 : i32
    %sign3A_44 = arith.extui %sign3A_43 : i1 to i32
    %sign3A_45 = arith.subi %sign3A_41, %sign3A_44 : i32
    %ne3A_46 = arith.cmpi ne, %sign3A_38, %sign3A_45 : i32
    %rem3A_47 = arith.remsi %add3A_29, %jit3A_30 : i32
    %ne3A_48 = arith.constant 0 : i32
    %ne3A_49 = arith.cmpi ne, %rem3A_47, %ne3A_48 : i32
    %and3A_50 = arith.andi %ne3A_46, %ne3A_49 : i1
    %sub3A_51 = arith.constant 1 : i32
    %sub3A_52 = arith.subi %div3A_31, %sub3A_51 : i32
    %select_n3A_53 = arith.select %and3A_50, %sub3A_52, %div3A_31 : i32
    %while3A = arith.constant 0 : i32
    %while3A_54 = arith.subi %select_n3A_53, %select_n3A : i32
    %while3A_55 = arith.addi %select_n3A, %while3A_54 : i32
    %while3A_56 = arith.constant 1 : i32
    %while3A_57 = arith.divsi %while3A_54, %while3A_56 : i32
    %while3A_58 = arith.muli %while3A_57, %while3A_56 : i32
    %while3A_59 = arith.addi %select_n3A, %while3A_58 : i32
    %while3A_60 = arith.constant 1 : i32
    %while3A_61 = scf.for %while3A_111 = %select_n3A to %while3A_59 step %while3A_60 iter_args(%while3A_112 = %while3A) -> (i32)  : i32 {
      %mul3A_113 = arith.constant 16 : i32
      %mul3A_114 = arith.muli %while3A_111, %mul3A_113 : i32
      %get3A_115 = arith.index_cast %mul3A_114 : i32 to index
      %get3A_116 = tpu.vector_load %arg8[%get3A_115] {strides = array<i32>} : memref<16400xi32, #tpu.memory_space<vmem>>, vector<16xi32>,
      %mul3A_117 = arith.constant 16 : i32
      %mul3A_118 = arith.muli %while3A_111, %mul3A_117 : i32
      %broadcast_in_dim3A_119 = vector.broadcast %mul3A_118 : i32 to vector<16xi32>
      %add3A_120 = arith.addi %iota3A, %broadcast_in_dim3A_119 : vector<16xi32>
      %ge3A = arith.cmpi sge, %add3A_120, %broadcast_in_dim3A_10 : vector<16xi32>
      %lt3A = arith.cmpi slt, %add3A_120, %broadcast_in_dim3A_11 : vector<16xi32>
      %and3A_121 = arith.andi %ge3A, %lt3A : vector<16xi1>
      %ge3A_122 = arith.cmpi sge, %get3A_116, %broadcast_in_dim3A_8 : vector<16xi32>
      %and3A_123 = arith.andi %and3A_121, %ge3A_122 : vector<16xi1>
      %mul3A_124 = arith.constant 16 : i32
      %mul3A_125 = arith.muli %while3A_111, %mul3A_124 : i32
      %get3A_126 = arith.index_cast %mul3A_125 : i32 to index
      %get3A_127 = tpu.vector_load %arg9[%get3A_126] {strides = array<i32>} : memref<16400xi32, #tpu.memory_space<vmem>>, vector<16xi32>,
      %gather3A = tpu.vector_load_idx %arg10[%get3A_127] : memref<16384xf32, #tpu.memory_space<vmem>>[vector<16xi32>], vector<16xf32>,
      %select_n3A_128 = arith.select %and3A_123, %broadcast_in_dim3A_6, %broadcast_in_dim3A_8 : vector<16xi1>, vector<16xi32>
      %broadcast_in_dim3A_129 = arith.constant true
      %broadcast_in_dim3A_130 = vector.broadcast %broadcast_in_dim3A_129 : i1 to vector<16xi1>
      %masked_cumsum3A = tpu.scan <sum>, %select_n3A_128 masked %broadcast_in_dim3A_130 : vector<16xi32>, vector<16xi1> -> vector<16xi32>
      %sub3A_131 = arith.subi %masked_cumsum3A, %broadcast_in_dim3A_6 : vector<16xi32>
      %broadcast_in_dim3A_132 = vector.broadcast %while3A_112 : i32 to vector<16xi32>
      %add3A_133 = arith.addi %sub3A_131, %broadcast_in_dim3A_132 : vector<16xi32>
      %sub3A_134 = arith.subi %get3A_116, %broadcast_in_dim3A_9 : vector<16xi32>
      tpu.vector_store_idx %arg8[%add3A_133], %sub3A_134 masked %and3A_123 : memref<16400xi32, #tpu.memory_space<vmem>>[vector<16xi32>], vector<16xi32>, vector<16xi1>
      %bitcast3A = vector.bitcast %gather3A : vector<16xf32> to vector<16xi32>
      tpu.vector_store_idx %arg9[%add3A_133], %bitcast3A masked %and3A_123 : memref<16400xi32, #tpu.memory_space<vmem>>[vector<16xi32>], vector<16xi32>, vector<16xi1>
      %slice3A_135 = vector.extract_strided_slice %masked_cumsum3A {offsets = [15], sizes = [1], strides = [1]} : vector<16xi32> to vector<1xi32>
      %squeeze3A_136 = vector.extract %slice3A_135[0] : i32 from vector<1xi32>
      %add3A_137 = arith.addi %while3A_112, %squeeze3A_136 : i32
      scf.yield %add3A_137 : i32
    }
    %while3A_62 = arith.constant 1 : i32
    %while3A_63 = scf.for %while3A_111 = %while3A_59 to %while3A_55 step %while3A_62 iter_args(%while3A_112 = %while3A_61) -> (i32)  : i32 {
      %mul3A_113 = arith.constant 16 : i32
      %mul3A_114 = arith.muli %while3A_111, %mul3A_113 : i32
      %get3A_115 = arith.index_cast %mul3A_114 : i32 to index
      %get3A_116 = tpu.vector_load %arg8[%get3A_115] {strides = array<i32>} : memref<16400xi32, #tpu.memory_space<vmem>>, vector<16xi32>,
      %mul3A_117 = arith.constant 16 : i32
      %mul3A_118 = arith.muli %while3A_111, %mul3A_117 : i32
      %broadcast_in_dim3A_119 = vector.broadcast %mul3A_118 : i32 to vector<16xi32>
      %add3A_120 = arith.addi %iota3A, %broadcast_in_dim3A_119 : vector<16xi32>
      %ge3A = arith.cmpi sge, %add3A_120, %broadcast_in_dim3A_10 : vector<16xi32>
      %lt3A = arith.cmpi slt, %add3A_120, %broadcast_in_dim3A_11 : vector<16xi32>
      %and3A_121 = arith.andi %ge3A, %lt3A : vector<16xi1>
      %ge3A_122 = arith.cmpi sge, %get3A_116, %broadcast_in_dim3A_8 : vector<16xi32>
      %and3A_123 = arith.andi %and3A_121, %ge3A_122 : vector<16xi1>
      %mul3A_124 = arith.constant 16 : i32
      %mul3A_125 = arith.muli %while3A_111, %mul3A_124 : i32
      %get3A_126 = arith.index_cast %mul3A_125 : i32 to index
      %get3A_127 = tpu.vector_load %arg9[%get3A_126] {strides = array<i32>} : memref<16400xi32, #tpu.memory_space<vmem>>, vector<16xi32>,
      %gather3A = tpu.vector_load_idx %arg10[%get3A_127] : memref<16384xf32, #tpu.memory_space<vmem>>[vector<16xi32>], vector<16xf32>,
      %select_n3A_128 = arith.select %and3A_123, %broadcast_in_dim3A_6, %broadcast_in_dim3A_8 : vector<16xi1>, vector<16xi32>
      %broadcast_in_dim3A_129 = arith.constant true
      %broadcast_in_dim3A_130 = vector.broadcast %broadcast_in_dim3A_129 : i1 to vector<16xi1>
      %masked_cumsum3A = tpu.scan <sum>, %select_n3A_128 masked %broadcast_in_dim3A_130 : vector<16xi32>, vector<16xi1> -> vector<16xi32>
      %sub3A_131 = arith.subi %masked_cumsum3A, %broadcast_in_dim3A_6 : vector<16xi32>
      %broadcast_in_dim3A_132 = vector.broadcast %while3A_112 : i32 to vector<16xi32>
      %add3A_133 = arith.addi %sub3A_131, %broadcast_in_dim3A_132 : vector<16xi32>
      %sub3A_134 = arith.subi %get3A_116, %broadcast_in_dim3A_9 : vector<16xi32>
      tpu.vector_store_idx %arg8[%add3A_133], %sub3A_134 masked %and3A_123 : memref<16400xi32, #tpu.memory_space<vmem>>[vector<16xi32>], vector<16xi32>, vector<16xi1>
      %bitcast3A = vector.bitcast %gather3A : vector<16xf32> to vector<16xi32>
      tpu.vector_store_idx %arg9[%add3A_133], %bitcast3A masked %and3A_123 : memref<16400xi32, #tpu.memory_space<vmem>>[vector<16xi32>], vector<16xi32>, vector<16xi1>
      %slice3A_135 = vector.extract_strided_slice %masked_cumsum3A {offsets = [15], sizes = [1], strides = [1]} : vector<16xi32> to vector<1xi32>
      %squeeze3A_136 = vector.extract %slice3A_135[0] : i32 from vector<1xi32>
      %add3A_137 = arith.addi %while3A_112, %squeeze3A_136 : i32
      scf.yield %add3A_137 : i32
    }
    %add3A_64 = arith.constant 15 : i32
    %add3A_65 = arith.addi %while3A_63, %add3A_64 : i32
    %jit3A_66 = arith.constant 16 : i32
    %div3A_67 = arith.divsi %add3A_65, %jit3A_66 : i32
    %sign3A_68 = arith.constant 0 : i32
    %sign3A_69 = arith.cmpi sgt, %add3A_65, %sign3A_68 : i32
    %sign3A_70 = arith.extui %sign3A_69 : i1 to i32
    %sign3A_71 = arith.constant 0 : i32
    %sign3A_72 = arith.cmpi slt, %add3A_65, %sign3A_71 : i32
    %sign3A_73 = arith.extui %sign3A_72 : i1 to i32
    %sign3A_74 = arith.subi %sign3A_70, %sign3A_73 : i32
    %sign3A_75 = arith.constant 0 : i32
    %sign3A_76 = arith.cmpi sgt, %jit3A_66, %sign3A_75 : i32
    %sign3A_77 = arith.extui %sign3A_76 : i1 to i32
    %sign3A_78 = arith.constant 0 : i32
    %sign3A_79 = arith.cmpi slt, %jit3A_66, %sign3A_78 : i32
    %sign3A_80 = arith.extui %sign3A_79 : i1 to i32
    %sign3A_81 = arith.subi %sign3A_77, %sign3A_80 : i32
    %ne3A_82 = arith.cmpi ne, %sign3A_74, %sign3A_81 : i32
    %rem3A_83 = arith.remsi %add3A_65, %jit3A_66 : i32
    %ne3A_84 = arith.constant 0 : i32
    %ne3A_85 = arith.cmpi ne, %rem3A_83, %ne3A_84 : i32
    %and3A_86 = arith.andi %ne3A_82, %ne3A_85 : i1
    %sub3A_87 = arith.constant 1 : i32
    %sub3A_88 = arith.subi %div3A_67, %sub3A_87 : i32
    %select_n3A_89 = arith.select %and3A_86, %sub3A_88, %div3A_67 : i32
    %gt3A = arith.constant 0 : i32
    %gt3A_90 = arith.cmpi sgt, %while3A_63, %gt3A : i32
    %convert_element_type3A = arith.extui %gt3A_90 : i1 to i32
    %cond3A = arith.constant 0 : i32
    %cond3A_91 = arith.cmpi ne, %convert_element_type3A, %cond3A : i32
    scf.if %cond3A_91 {
      %sub3A_111 = arith.constant 1 : i32
      %sub3A_112 = arith.subi %while3A_63, %sub3A_111 : i32
      %get3A_113 = arith.index_cast %sub3A_112 : i32 to index
      %get3A_114 = tpu.vector_load %arg8[%get3A_113] {strides = array<i32>} : memref<16400xi32, #tpu.memory_space<vmem>>, vector<16xi32>,
      %slice3A_115 = vector.extract_strided_slice %get3A_114 {offsets = [0], sizes = [1], strides = [1]} : vector<16xi32> to vector<1xi32>
      %squeeze3A_116 = vector.extract %slice3A_115[0] : i32 from vector<1xi32>
      %sub3A_117 = arith.constant 1 : i32
      %sub3A_118 = arith.subi %while3A_63, %sub3A_117 : i32
      %get3A_119 = arith.index_cast %sub3A_118 : i32 to index
      %get3A_120 = tpu.vector_load %arg9[%get3A_119] {strides = array<i32>} : memref<16400xi32, #tpu.memory_space<vmem>>, vector<16xi32>,
      %slice3A_121 = vector.extract_strided_slice %get3A_120 {offsets = [0], sizes = [1], strides = [1]} : vector<16xi32> to vector<1xi32>
      %squeeze3A_122 = vector.extract %slice3A_121[0] : i32 from vector<1xi32>
      %sub3A_123 = arith.constant 1 : i32
      %sub3A_124 = arith.subi %while3A_63, %sub3A_123 : i32
      %jit3A_125 = arith.constant 16 : i32
      %div3A_126 = arith.divsi %sub3A_124, %jit3A_125 : i32
      %sign3A_127 = arith.constant 0 : i32
      %sign3A_128 = arith.cmpi sgt, %sub3A_124, %sign3A_127 : i32
      %sign3A_129 = arith.extui %sign3A_128 : i1 to i32
      %sign3A_130 = arith.constant 0 : i32
      %sign3A_131 = arith.cmpi slt, %sub3A_124, %sign3A_130 : i32
      %sign3A_132 = arith.extui %sign3A_131 : i1 to i32
      %sign3A_133 = arith.subi %sign3A_129, %sign3A_132 : i32
      %sign3A_134 = arith.constant 0 : i32
      %sign3A_135 = arith.cmpi sgt, %jit3A_125, %sign3A_134 : i32
      %sign3A_136 = arith.extui %sign3A_135 : i1 to i32
      %sign3A_137 = arith.constant 0 : i32
      %sign3A_138 = arith.cmpi slt, %jit3A_125, %sign3A_137 : i32
      %sign3A_139 = arith.extui %sign3A_138 : i1 to i32
      %sign3A_140 = arith.subi %sign3A_136, %sign3A_139 : i32
      %ne3A_141 = arith.cmpi ne, %sign3A_133, %sign3A_140 : i32
      %rem3A_142 = arith.remsi %sub3A_124, %jit3A_125 : i32
      %ne3A_143 = arith.constant 0 : i32
      %ne3A_144 = arith.cmpi ne, %rem3A_142, %ne3A_143 : i32
      %and3A_145 = arith.andi %ne3A_141, %ne3A_144 : i1
      %sub3A_146 = arith.constant 1 : i32
      %sub3A_147 = arith.subi %div3A_126, %sub3A_146 : i32
      %select_n3A_148 = arith.select %and3A_145, %sub3A_147, %div3A_126 : i32
      %mul3A_149 = arith.constant 16 : i32
      %mul3A_150 = arith.muli %select_n3A_148, %mul3A_149 : i32
      %sub3A_151 = arith.subi %while3A_63, %mul3A_150 : i32
      %broadcast_in_dim3A_152 = vector.broadcast %sub3A_151 : i32 to vector<16xi32>
      %lt3A = arith.cmpi slt, %iota3A, %broadcast_in_dim3A_152 : vector<16xi32>
      %mul3A_153 = arith.constant 16 : i32
      %mul3A_154 = arith.muli %select_n3A_148, %mul3A_153 : i32
      %get3A_155 = arith.index_cast %mul3A_154 : i32 to index
      %get3A_156 = tpu.vector_load %arg8[%get3A_155] {strides = array<i32>} : memref<16400xi32, #tpu.memory_space<vmem>>, vector<16xi32>,
      %broadcast_in_dim3A_157 = vector.broadcast %squeeze3A_116 : i32 to vector<16xi32>
      %select_n3A_158 = arith.select %lt3A, %get3A_156, %broadcast_in_dim3A_157 : vector<16xi1>, vector<16xi32>
      %mul3A_159 = arith.constant 16 : i32
      %mul3A_160 = arith.muli %select_n3A_148, %mul3A_159 : i32
      %swap3A = arith.index_cast %mul3A_160 : i32 to index
      %swap3A_161 = tpu.vector_load %arg8[%swap3A] {strides = array<i32>} : memref<16400xi32, #tpu.memory_space<vmem>>, vector<16xi32>,
      tpu.vector_store %arg8[%swap3A], %select_n3A_158 {strides = array<i32>} : memref<16400xi32, #tpu.memory_space<vmem>>, vector<16xi32>,
      %mul3A_162 = arith.constant 16 : i32
      %mul3A_163 = arith.muli %select_n3A_148, %mul3A_162 : i32
      %get3A_164 = arith.index_cast %mul3A_163 : i32 to index
      %get3A_165 = tpu.vector_load %arg9[%get3A_164] {strides = array<i32>} : memref<16400xi32, #tpu.memory_space<vmem>>, vector<16xi32>,
      %broadcast_in_dim3A_166 = vector.broadcast %squeeze3A_122 : i32 to vector<16xi32>
      %select_n3A_167 = arith.select %lt3A, %get3A_165, %broadcast_in_dim3A_166 : vector<16xi1>, vector<16xi32>
      %mul3A_168 = arith.constant 16 : i32
      %mul3A_169 = arith.muli %select_n3A_148, %mul3A_168 : i32
      %swap3A_170 = arith.index_cast %mul3A_169 : i32 to index
      %swap3A_171 = tpu.vector_load %arg9[%swap3A_170] {strides = array<i32>} : memref<16400xi32, #tpu.memory_space<vmem>>, vector<16xi32>,
      tpu.vector_store %arg9[%swap3A_170], %select_n3A_167 {strides = array<i32>} : memref<16400xi32, #tpu.memory_space<vmem>>, vector<16xi32>,
    } else {
    }
    %broadcast_in_dim3A_92 = arith.constant 0.000000e+00 : f32
    %broadcast_in_dim3A_93 = vector.broadcast %broadcast_in_dim3A_92 : f32 to vector<16xf32>
    %scan3A = arith.constant 0 : i32
    %scan3A_94 = arith.constant 0 : i32
    %scan3A_95 = arith.constant 187 : i32
    %scan3A_96 = arith.addi %scan3A_94, %scan3A_95 : i32
    %scan3A_97 = arith.constant 1 : i32
    scf.for %scan3A_111 = %scan3A_94 to %scan3A_96 step %scan3A_97  : i32 {
      %mul3A_112 = arith.constant 256 : i32
      %mul3A_113 = arith.muli %scan3A_111, %mul3A_112 : i32
      %add3A_114 = arith.constant 0 : i32
      %add3A_115 = arith.addi %mul3A_113, %add3A_114 : i32
      %swap3A = arith.index_cast %add3A_115 : i32 to index
      %swap3A_116 = tpu.vector_load %arg7[%swap3A] {strides = array<i32>} : memref<48000xf32, #tpu.memory_space<vmem>>, vector<16xf32>,
      tpu.vector_store %arg7[%swap3A], %broadcast_in_dim3A_93 {strides = array<i32>} : memref<48000xf32, #tpu.memory_space<vmem>>, vector<16xf32>,
      %mul3A_117 = arith.constant 256 : i32
      %mul3A_118 = arith.muli %scan3A_111, %mul3A_117 : i32
      %add3A_119 = arith.constant 16 : i32
      %add3A_120 = arith.addi %mul3A_118, %add3A_119 : i32
      %swap3A_121 = arith.index_cast %add3A_120 : i32 to index
      %swap3A_122 = tpu.vector_load %arg7[%swap3A_121] {strides = array<i32>} : memref<48000xf32, #tpu.memory_space<vmem>>, vector<16xf32>,
      tpu.vector_store %arg7[%swap3A_121], %broadcast_in_dim3A_93 {strides = array<i32>} : memref<48000xf32, #tpu.memory_space<vmem>>, vector<16xf32>,
      %mul3A_123 = arith.constant 256 : i32
      %mul3A_124 = arith.muli %scan3A_111, %mul3A_123 : i32
      %add3A_125 = arith.constant 32 : i32
      %add3A_126 = arith.addi %mul3A_124, %add3A_125 : i32
      %swap3A_127 = arith.index_cast %add3A_126 : i32 to index
      %swap3A_128 = tpu.vector_load %arg7[%swap3A_127] {strides = array<i32>} : memref<48000xf32, #tpu.memory_space<vmem>>, vector<16xf32>,
      tpu.vector_store %arg7[%swap3A_127], %broadcast_in_dim3A_93 {strides = array<i32>} : memref<48000xf32, #tpu.memory_space<vmem>>, vector<16xf32>,
      %mul3A_129 = arith.constant 256 : i32
      %mul3A_130 = arith.muli %scan3A_111, %mul3A_129 : i32
      %add3A_131 = arith.constant 48 : i32
      %add3A_132 = arith.addi %mul3A_130, %add3A_131 : i32
      %swap3A_133 = arith.index_cast %add3A_132 : i32 to index
      %swap3A_134 = tpu.vector_load %arg7[%swap3A_133] {strides = array<i32>} : memref<48000xf32, #tpu.memory_space<vmem>>, vector<16xf32>,
      tpu.vector_store %arg7[%swap3A_133], %broadcast_in_dim3A_93 {strides = array<i32>} : memref<48000xf32, #tpu.memory_space<vmem>>, vector<16xf32>,
      %mul3A_135 = arith.constant 256 : i32
      %mul3A_136 = arith.muli %scan3A_111, %mul3A_135 : i32
      %add3A_137 = arith.constant 64 : i32
      %add3A_138 = arith.addi %mul3A_136, %add3A_137 : i32
      %swap3A_139 = arith.index_cast %add3A_138 : i32 to index
      %swap3A_140 = tpu.vector_load %arg7[%swap3A_139] {strides = array<i32>} : memref<48000xf32, #tpu.memory_space<vmem>>, vector<16xf32>,
      tpu.vector_store %arg7[%swap3A_139], %broadcast_in_dim3A_93 {strides = array<i32>} : memref<48000xf32, #tpu.memory_space<vmem>>, vector<16xf32>,
      %mul3A_141 = arith.constant 256 : i32
      %mul3A_142 = arith.muli %scan3A_111, %mul3A_141 : i32
      %add3A_143 = arith.constant 80 : i32
      %add3A_144 = arith.addi %mul3A_142, %add3A_143 : i32
      %swap3A_145 = arith.index_cast %add3A_144 : i32 to index
      %swap3A_146 = tpu.vector_load %arg7[%swap3A_145] {strides = array<i32>} : memref<48000xf32, #tpu.memory_space<vmem>>, vector<16xf32>,
      tpu.vector_store %arg7[%swap3A_145], %broadcast_in_dim3A_93 {strides = array<i32>} : memref<48000xf32, #tpu.memory_space<vmem>>, vector<16xf32>,
      %mul3A_147 = arith.constant 256 : i32
      %mul3A_148 = arith.muli %scan3A_111, %mul3A_147 : i32
      %add3A_149 = arith.constant 96 : i32
      %add3A_150 = arith.addi %mul3A_148, %add3A_149 : i32
      %swap3A_151 = arith.index_cast %add3A_150 : i32 to index
      %swap3A_152 = tpu.vector_load %arg7[%swap3A_151] {strides = array<i32>} : memref<48000xf32, #tpu.memory_space<vmem>>, vector<16xf32>,
      tpu.vector_store %arg7[%swap3A_151], %broadcast_in_dim3A_93 {strides = array<i32>} : memref<48000xf32, #tpu.memory_space<vmem>>, vector<16xf32>,
      %mul3A_153 = arith.constant 256 : i32
      %mul3A_154 = arith.muli %scan3A_111, %mul3A_153 : i32
      %add3A_155 = arith.constant 112 : i32
      %add3A_156 = arith.addi %mul3A_154, %add3A_155 : i32
      %swap3A_157 = arith.index_cast %add3A_156 : i32 to index
      %swap3A_158 = tpu.vector_load %arg7[%swap3A_157] {strides = array<i32>} : memref<48000xf32, #tpu.memory_space<vmem>>, vector<16xf32>,
      tpu.vector_store %arg7[%swap3A_157], %broadcast_in_dim3A_93 {strides = array<i32>} : memref<48000xf32, #tpu.memory_space<vmem>>, vector<16xf32>,
      %mul3A_159 = arith.constant 256 : i32
      %mul3A_160 = arith.muli %scan3A_111, %mul3A_159 : i32
      %add3A_161 = arith.constant 128 : i32
      %add3A_162 = arith.addi %mul3A_160, %add3A_161 : i32
      %swap3A_163 = arith.index_cast %add3A_162 : i32 to index
      %swap3A_164 = tpu.vector_load %arg7[%swap3A_163] {strides = array<i32>} : memref<48000xf32, #tpu.memory_space<vmem>>, vector<16xf32>,
      tpu.vector_store %arg7[%swap3A_163], %broadcast_in_dim3A_93 {strides = array<i32>} : memref<48000xf32, #tpu.memory_space<vmem>>, vector<16xf32>,
      %mul3A_165 = arith.constant 256 : i32
      %mul3A_166 = arith.muli %scan3A_111, %mul3A_165 : i32
      %add3A_167 = arith.constant 144 : i32
      %add3A_168 = arith.addi %mul3A_166, %add3A_167 : i32
      %swap3A_169 = arith.index_cast %add3A_168 : i32 to index
      %swap3A_170 = tpu.vector_load %arg7[%swap3A_169] {strides = array<i32>} : memref<48000xf32, #tpu.memory_space<vmem>>, vector<16xf32>,
      tpu.vector_store %arg7[%swap3A_169], %broadcast_in_dim3A_93 {strides = array<i32>} : memref<48000xf32, #tpu.memory_space<vmem>>, vector<16xf32>,
      %mul3A_171 = arith.constant 256 : i32
      %mul3A_172 = arith.muli %scan3A_111, %mul3A_171 : i32
      %add3A_173 = arith.constant 160 : i32
      %add3A_174 = arith.addi %mul3A_172, %add3A_173 : i32
      %swap3A_175 = arith.index_cast %add3A_174 : i32 to index
      %swap3A_176 = tpu.vector_load %arg7[%swap3A_175] {strides = array<i32>} : memref<48000xf32, #tpu.memory_space<vmem>>, vector<16xf32>,
      tpu.vector_store %arg7[%swap3A_175], %broadcast_in_dim3A_93 {strides = array<i32>} : memref<48000xf32, #tpu.memory_space<vmem>>, vector<16xf32>,
      %mul3A_177 = arith.constant 256 : i32
      %mul3A_178 = arith.muli %scan3A_111, %mul3A_177 : i32
      %add3A_179 = arith.constant 176 : i32
      %add3A_180 = arith.addi %mul3A_178, %add3A_179 : i32
      %swap3A_181 = arith.index_cast %add3A_180 : i32 to index
      %swap3A_182 = tpu.vector_load %arg7[%swap3A_181] {strides = array<i32>} : memref<48000xf32, #tpu.memory_space<vmem>>, vector<16xf32>,
      tpu.vector_store %arg7[%swap3A_181], %broadcast_in_dim3A_93 {strides = array<i32>} : memref<48000xf32, #tpu.memory_space<vmem>>, vector<16xf32>,
      %mul3A_183 = arith.constant 256 : i32
      %mul3A_184 = arith.muli %scan3A_111, %mul3A_183 : i32
      %add3A_185 = arith.constant 192 : i32
      %add3A_186 = arith.addi %mul3A_184, %add3A_185 : i32
      %swap3A_187 = arith.index_cast %add3A_186 : i32 to index
      %swap3A_188 = tpu.vector_load %arg7[%swap3A_187] {strides = array<i32>} : memref<48000xf32, #tpu.memory_space<vmem>>, vector<16xf32>,
      tpu.vector_store %arg7[%swap3A_187], %broadcast_in_dim3A_93 {strides = array<i32>} : memref<48000xf32, #tpu.memory_space<vmem>>, vector<16xf32>,
      %mul3A_189 = arith.constant 256 : i32
      %mul3A_190 = arith.muli %scan3A_111, %mul3A_189 : i32
      %add3A_191 = arith.constant 208 : i32
      %add3A_192 = arith.addi %mul3A_190, %add3A_191 : i32
      %swap3A_193 = arith.index_cast %add3A_192 : i32 to index
      %swap3A_194 = tpu.vector_load %arg7[%swap3A_193] {strides = array<i32>} : memref<48000xf32, #tpu.memory_space<vmem>>, vector<16xf32>,
      tpu.vector_store %arg7[%swap3A_193], %broadcast_in_dim3A_93 {strides = array<i32>} : memref<48000xf32, #tpu.memory_space<vmem>>, vector<16xf32>,
      %mul3A_195 = arith.constant 256 : i32
      %mul3A_196 = arith.muli %scan3A_111, %mul3A_195 : i32
      %add3A_197 = arith.constant 224 : i32
      %add3A_198 = arith.addi %mul3A_196, %add3A_197 : i32
      %swap3A_199 = arith.index_cast %add3A_198 : i32 to index
      %swap3A_200 = tpu.vector_load %arg7[%swap3A_199] {strides = array<i32>} : memref<48000xf32, #tpu.memory_space<vmem>>, vector<16xf32>,
      tpu.vector_store %arg7[%swap3A_199], %broadcast_in_dim3A_93 {strides = array<i32>} : memref<48000xf32, #tpu.memory_space<vmem>>, vector<16xf32>,
      %mul3A_201 = arith.constant 256 : i32
      %mul3A_202 = arith.muli %scan3A_111, %mul3A_201 : i32
      %add3A_203 = arith.constant 240 : i32
      %add3A_204 = arith.addi %mul3A_202, %add3A_203 : i32
      %swap3A_205 = arith.index_cast %add3A_204 : i32 to index
      %swap3A_206 = tpu.vector_load %arg7[%swap3A_205] {strides = array<i32>} : memref<48000xf32, #tpu.memory_space<vmem>>, vector<16xf32>,
      tpu.vector_store %arg7[%swap3A_205], %broadcast_in_dim3A_93 {strides = array<i32>} : memref<48000xf32, #tpu.memory_space<vmem>>, vector<16xf32>,
    }
    %scan3A_98 = arith.constant 187 : i32
    %scan3A_99 = arith.constant 0 : i32
    %scan3A_100 = arith.constant 0 : i32
    %scan3A_101 = arith.constant 32 : i32
    %scan3A_102 = arith.addi %scan3A_100, %scan3A_101 : i32
    %scan3A_103 = arith.constant 1 : i32
    scf.for %scan3A_111 = %scan3A_100 to %scan3A_102 step %scan3A_103  : i32 {
      %jit3A_112 = arith.constant 3 : i32
      %eq3A = arith.constant 0 : i32
      %eq3A_113 = arith.cmpi eq, %jit3A_112, %eq3A : i32
      %jit3A_114 = arith.constant 1 : i32
      %select_n3A_115 = arith.select %eq3A_113, %jit3A_114, %jit3A_112 : i32
      %rem3A_116 = arith.remsi %scan3A_111, %select_n3A_115 : i32
      %ne3A_117 = arith.constant 0 : i32
      %ne3A_118 = arith.cmpi ne, %rem3A_116, %ne3A_117 : i32
      %lt3A = arith.constant 0 : i32
      %lt3A_119 = arith.cmpi slt, %rem3A_116, %lt3A : i32
      %lt3A_120 = arith.constant 0 : i32
      %lt3A_121 = arith.cmpi slt, %select_n3A_115, %lt3A_120 : i32
      %ne3A_122 = arith.xori %lt3A_119, %lt3A_121 : i1
      %and3A_123 = arith.andi %ne3A_122, %ne3A_118 : i1
      %add3A_124 = arith.addi %rem3A_116, %select_n3A_115 : i32
      %select_n3A_125 = arith.select %and3A_123, %add3A_124, %rem3A_116 : i32
      %mul3A_126 = arith.constant 16000 : i32
      %mul3A_127 = arith.muli %select_n3A_125, %mul3A_126 : i32
      %broadcast_in_dim3A_128 = vector.broadcast %mul3A_127 : i32 to vector<16xi32>
      %ge3A = arith.constant 3 : i32
      %ge3A_129 = arith.cmpi sge, %scan3A_111, %ge3A : i32
      %convert_element_type3A_130 = arith.extui %ge3A_129 : i1 to i32
      %cond3A_131 = arith.constant 0 : i32
      %cond3A_132 = arith.cmpi ne, %convert_element_type3A_130, %cond3A_131 : i32
      scf.if %cond3A_132 {
        %dma_wait3A = arith.constant 0 : i32
        %dma_wait3A_157 = tpu.memref_slice %arg7[%dma_wait3A] : memref<48000xf32, #tpu.memory_space<vmem>> -> memref<16000xf32, #tpu.memory_space<vmem>>
        %dma_wait3A_158 = tpu.memref_slice %arg6[%mul3A_2] : memref<16384000xf32, #tpu.memory_space<hbm>> -> memref<16000xf32, #tpu.memory_space<hbm>>
        %dma_wait3A_159 = tpu.memref_slice %arg6[%mul3A_2] : memref<16384000xf32, #tpu.memory_space<hbm>> -> memref<16000xf32, #tpu.memory_space<hbm>>
        %dma_wait3A_160 = arith.constant 0 : i32
        %dma_wait3A_161 = tpu.memref_slice %arg7[%dma_wait3A_160] : memref<48000xf32, #tpu.memory_space<vmem>> -> memref<16000xf32, #tpu.memory_space<vmem>>
        tpu.wait_dma2 semaphore(%arg12 : memref<!tpu.dma_semaphore, #tpu.memory_space<semaphore_mem>>) src(%dma_wait3A_161 : memref<16000xf32, #tpu.memory_space<vmem>>) dst(%dma_wait3A_159 : memref<16000xf32, #tpu.memory_space<hbm>>)
        %sub3A_162 = arith.constant 3 : i32
        %sub3A_163 = arith.subi %scan3A_111, %sub3A_162 : i32
        %mul3A_164 = arith.constant 16000 : i32
        %mul3A_165 = arith.muli %sub3A_163, %mul3A_164 : i32
        %broadcast_in_dim3A_166 = vector.broadcast %mul3A_165 : i32 to vector<16xi32>
        %sub3A_167 = arith.constant 3 : i32
        %sub3A_168 = arith.subi %scan3A_111, %sub3A_167 : i32
        %add3A_169 = arith.constant 1 : i32
        %add3A_170 = arith.addi %sub3A_168, %add3A_169 : i32
        %mul3A_171 = arith.constant 16000 : i32
        %mul3A_172 = arith.muli %add3A_170, %mul3A_171 : i32
        %broadcast_in_dim3A_173 = vector.broadcast %mul3A_172 : i32 to vector<16xi32>
        %while3A_174 = arith.constant 0 : i32
        %while3A_175 = arith.constant 0 : i32
        %while3A_176 = arith.subi %select_n3A_89, %while3A_175 : i32
        %while3A_177 = arith.addi %while3A_175, %while3A_176 : i32
        %while3A_178 = arith.constant 1 : i32
        %while3A_179 = arith.divsi %while3A_176, %while3A_178 : i32
        %while3A_180 = arith.muli %while3A_179, %while3A_178 : i32
        %while3A_181 = arith.addi %while3A_175, %while3A_180 : i32
        %while3A_182 = arith.constant 1 : i32
        scf.for %while3A_184 = %while3A_175 to %while3A_181 step %while3A_182  : i32 {
          %mul3A_185 = arith.constant 16 : i32
          %mul3A_186 = arith.muli %while3A_184, %mul3A_185 : i32
          %get3A_187 = arith.index_cast %mul3A_186 : i32 to index
          %get3A_188 = tpu.vector_load %arg8[%get3A_187] {strides = array<i32>} : memref<16400xi32, #tpu.memory_space<vmem>>, vector<16xi32>,
          %ge3A_189 = arith.cmpi sge, %get3A_188, %broadcast_in_dim3A_166 : vector<16xi32>
          %lt3A_190 = arith.cmpi slt, %get3A_188, %broadcast_in_dim3A_173 : vector<16xi32>
          %and3A_191 = arith.andi %ge3A_189, %lt3A_190 : vector<16xi1>
          %sub3A_192 = arith.subi %get3A_188, %broadcast_in_dim3A_166 : vector<16xi32>
          %add3A_193 = arith.addi %sub3A_192, %broadcast_in_dim3A_128 : vector<16xi32>
          tpu.vector_store_idx %arg7[%add3A_193], %broadcast_in_dim3A_93 masked %and3A_191 : memref<48000xf32, #tpu.memory_space<vmem>>[vector<16xi32>], vector<16xf32>, vector<16xi1>
        }
        %while3A_183 = arith.constant 1 : i32
        scf.for %while3A_184 = %while3A_181 to %while3A_177 step %while3A_183  : i32 {
          %mul3A_185 = arith.constant 16 : i32
          %mul3A_186 = arith.muli %while3A_184, %mul3A_185 : i32
          %get3A_187 = arith.index_cast %mul3A_186 : i32 to index
          %get3A_188 = tpu.vector_load %arg8[%get3A_187] {strides = array<i32>} : memref<16400xi32, #tpu.memory_space<vmem>>, vector<16xi32>,
          %ge3A_189 = arith.cmpi sge, %get3A_188, %broadcast_in_dim3A_166 : vector<16xi32>
          %lt3A_190 = arith.cmpi slt, %get3A_188, %broadcast_in_dim3A_173 : vector<16xi32>
          %and3A_191 = arith.andi %ge3A_189, %lt3A_190 : vector<16xi1>
          %sub3A_192 = arith.subi %get3A_188, %broadcast_in_dim3A_166 : vector<16xi32>
          %add3A_193 = arith.addi %sub3A_192, %broadcast_in_dim3A_128 : vector<16xi32>
          tpu.vector_store_idx %arg7[%add3A_193], %broadcast_in_dim3A_93 masked %and3A_191 : memref<48000xf32, #tpu.memory_space<vmem>>[vector<16xi32>], vector<16xf32>, vector<16xi1>
        }
      } else {
      }
      %mul3A_133 = arith.constant 16000 : i32
      %mul3A_134 = arith.muli %scan3A_111, %mul3A_133 : i32
      %broadcast_in_dim3A_135 = vector.broadcast %mul3A_134 : i32 to vector<16xi32>
      %add3A_136 = arith.constant 1 : i32
      %add3A_137 = arith.addi %scan3A_111, %add3A_136 : i32
      %mul3A_138 = arith.constant 16000 : i32
      %mul3A_139 = arith.muli %add3A_137, %mul3A_138 : i32
      %broadcast_in_dim3A_140 = vector.broadcast %mul3A_139 : i32 to vector<16xi32>
      %while3A_141 = arith.constant 0 : i32
      %while3A_142 = arith.constant 0 : i32
      %while3A_143 = arith.subi %select_n3A_89, %while3A_142 : i32
      %while3A_144 = arith.addi %while3A_142, %while3A_143 : i32
      %while3A_145 = arith.constant 1 : i32
      %while3A_146 = arith.divsi %while3A_143, %while3A_145 : i32
      %while3A_147 = arith.muli %while3A_146, %while3A_145 : i32
      %while3A_148 = arith.addi %while3A_142, %while3A_147 : i32
      %while3A_149 = arith.constant 1 : i32
      scf.for %while3A_157 = %while3A_142 to %while3A_148 step %while3A_149  : i32 {
        %mul3A_158 = arith.constant 16 : i32
        %mul3A_159 = arith.muli %while3A_157, %mul3A_158 : i32
        %get3A_160 = arith.index_cast %mul3A_159 : i32 to index
        %get3A_161 = tpu.vector_load %arg8[%get3A_160] {strides = array<i32>} : memref<16400xi32, #tpu.memory_space<vmem>>, vector<16xi32>,
        %ge3A_162 = arith.cmpi sge, %get3A_161, %broadcast_in_dim3A_135 : vector<16xi32>
        %lt3A_163 = arith.cmpi slt, %get3A_161, %broadcast_in_dim3A_140 : vector<16xi32>
        %and3A_164 = arith.andi %ge3A_162, %lt3A_163 : vector<16xi1>
        %mul3A_165 = arith.constant 16 : i32
        %mul3A_166 = arith.muli %while3A_157, %mul3A_165 : i32
        %get3A_167 = arith.index_cast %mul3A_166 : i32 to index
        %get3A_168 = tpu.vector_load %arg9[%get3A_167] {strides = array<i32>} : memref<16400xi32, #tpu.memory_space<vmem>>, vector<16xi32>,
        %bitcast3A = vector.bitcast %get3A_168 : vector<16xi32> to vector<16xf32>
        %sub3A_169 = arith.subi %get3A_161, %broadcast_in_dim3A_135 : vector<16xi32>
        %add3A_170 = arith.addi %sub3A_169, %broadcast_in_dim3A_128 : vector<16xi32>
        tpu.vector_store_idx %arg7[%add3A_170], %bitcast3A masked %and3A_164 : memref<48000xf32, #tpu.memory_space<vmem>>[vector<16xi32>], vector<16xf32>, vector<16xi1>
      }
      %while3A_150 = arith.constant 1 : i32
      scf.for %while3A_157 = %while3A_148 to %while3A_144 step %while3A_150  : i32 {
        %mul3A_158 = arith.constant 16 : i32
        %mul3A_159 = arith.muli %while3A_157, %mul3A_158 : i32
        %get3A_160 = arith.index_cast %mul3A_159 : i32 to index
        %get3A_161 = tpu.vector_load %arg8[%get3A_160] {strides = array<i32>} : memref<16400xi32, #tpu.memory_space<vmem>>, vector<16xi32>,
        %ge3A_162 = arith.cmpi sge, %get3A_161, %broadcast_in_dim3A_135 : vector<16xi32>
        %lt3A_163 = arith.cmpi slt, %get3A_161, %broadcast_in_dim3A_140 : vector<16xi32>
        %and3A_164 = arith.andi %ge3A_162, %lt3A_163 : vector<16xi1>
        %mul3A_165 = arith.constant 16 : i32
        %mul3A_166 = arith.muli %while3A_157, %mul3A_165 : i32
        %get3A_167 = arith.index_cast %mul3A_166 : i32 to index
        %get3A_168 = tpu.vector_load %arg9[%get3A_167] {strides = array<i32>} : memref<16400xi32, #tpu.memory_space<vmem>>, vector<16xi32>,
        %bitcast3A = vector.bitcast %get3A_168 : vector<16xi32> to vector<16xf32>
        %sub3A_169 = arith.subi %get3A_161, %broadcast_in_dim3A_135 : vector<16xi32>
        %add3A_170 = arith.addi %sub3A_169, %broadcast_in_dim3A_128 : vector<16xi32>
        tpu.vector_store_idx %arg7[%add3A_170], %bitcast3A masked %and3A_164 : memref<48000xf32, #tpu.memory_space<vmem>>[vector<16xi32>], vector<16xf32>, vector<16xi1>
      }
      %mul3A_151 = arith.constant 16000 : i32
      %mul3A_152 = arith.muli %scan3A_111, %mul3A_151 : i32
      %add3A_153 = arith.addi %mul3A_2, %mul3A_152 : i32
      %dma_start3A = tpu.memref_slice %arg7[%mul3A_127] : memref<48000xf32, #tpu.memory_space<vmem>> -> memref<16000xf32, #tpu.memory_space<vmem>>
      %dma_start3A_154 = tpu.memref_slice %arg6[%add3A_153] : memref<16384000xf32, #tpu.memory_space<hbm>> -> memref<16000xf32, #tpu.memory_space<hbm>>
      %dma_start3A_155 = tpu.memref_slice %arg6[%add3A_153] : memref<16384000xf32, #tpu.memory_space<hbm>> -> memref<16000xf32, #tpu.memory_space<hbm>>
      %dma_start3A_156 = tpu.memref_slice %arg7[%mul3A_127] : memref<48000xf32, #tpu.memory_space<vmem>> -> memref<16000xf32, #tpu.memory_space<vmem>>
      tpu.enqueue_dma source(%dma_start3A_156 : memref<16000xf32, #tpu.memory_space<vmem>>) target(%dma_start3A_155 : memref<16000xf32, #tpu.memory_space<hbm>>) target_semaphore(%arg12 : memref<!tpu.dma_semaphore, #tpu.memory_space<semaphore_mem>>)
    }
    %scan3A_104 = arith.constant 32 : i32
    %scan3A_105 = arith.constant 0 : i32
    %scan3A_106 = arith.constant 0 : i32
    %scan3A_107 = arith.constant 3 : i32
    %scan3A_108 = arith.addi %scan3A_106, %scan3A_107 : i32
    %scan3A_109 = arith.constant 1 : i32
    scf.for %scan3A_111 = %scan3A_106 to %scan3A_108 step %scan3A_109  : i32 {
      %dma_wait3A = arith.constant 0 : i32
      %dma_wait3A_112 = tpu.memref_slice %arg7[%dma_wait3A] : memref<48000xf32, #tpu.memory_space<vmem>> -> memref<16000xf32, #tpu.memory_space<vmem>>
      %dma_wait3A_113 = tpu.memref_slice %arg6[%mul3A_2] : memref<16384000xf32, #tpu.memory_space<hbm>> -> memref<16000xf32, #tpu.memory_space<hbm>>
      %dma_wait3A_114 = tpu.memref_slice %arg6[%mul3A_2] : memref<16384000xf32, #tpu.memory_space<hbm>> -> memref<16000xf32, #tpu.memory_space<hbm>>
      %dma_wait3A_115 = arith.constant 0 : i32
      %dma_wait3A_116 = tpu.memref_slice %arg7[%dma_wait3A_115] : memref<48000xf32, #tpu.memory_space<vmem>> -> memref<16000xf32, #tpu.memory_space<vmem>>
      tpu.wait_dma2 semaphore(%arg12 : memref<!tpu.dma_semaphore, #tpu.memory_space<semaphore_mem>>) src(%dma_wait3A_116 : memref<16000xf32, #tpu.memory_space<vmem>>) dst(%dma_wait3A_114 : memref<16000xf32, #tpu.memory_space<hbm>>)
    }
    %scan3A_110 = arith.constant 3 : i32
    return
  }
}

module attributes {stable_mosaic.version = 14 : i64} {
  func.func @_ratings_kernel(%arg0: i32, %arg1: memref<1x1x1024xi32, #tpu.memory_space<vmem>>, %arg2: memref<1024x256xf32, #tpu.memory_space<vmem>>, %arg3: memref<256x128xf32, #tpu.memory_space<vmem>>, %arg4: memref<1x128xf32, #tpu.memory_space<vmem>>, %arg5: memref<1000x128xf32, #tpu.memory_space<vmem>>, %arg6: memref<1x128xf32, #tpu.memory_space<vmem>>, %arg7: memref<1x1xf32, #tpu.memory_space<vmem>>, %arg8: memref<16x1024xf32, #tpu.memory_space<vmem>>, %arg9: memref<16x1024xf32, #tpu.memory_space<vmem>>, %arg10: memref<2xf32, #tpu.memory_space<smem>>) attributes {dimension_semantics = [#tpu.dimension_semantics<arbitrary>], iteration_bounds = array<i64: 17>, scalar_prefetch = 0 : i64, scratch_operands = 2 : i64, tpu.core_type = #tpu.core_type<tc>, window_params = [{transform_indices = @transform_0, window_bounds = array<i64: 1, 1, 1024>}, {transform_indices = @transform_1, window_bounds = array<i64: 1024, 256>}, {pipeline_mode = #tpu.pipeline_mode<synchronous>, transform_indices = @transform_2, window_bounds = array<i64: 256, 128>}, {pipeline_mode = #tpu.pipeline_mode<synchronous>, transform_indices = @transform_3, window_bounds = array<i64: 1, 128>}, {pipeline_mode = #tpu.pipeline_mode<synchronous>, transform_indices = @transform_4, window_bounds = array<i64: 1000, 128>}, {pipeline_mode = #tpu.pipeline_mode<synchronous>, transform_indices = @transform_5, window_bounds = array<i64: 1, 128>}, {pipeline_mode = #tpu.pipeline_mode<synchronous>, transform_indices = @transform_6, window_bounds = array<i64: 1, 1>}, {pipeline_mode = #tpu.pipeline_mode<synchronous>, transform_indices = @transform_7, window_bounds = array<i64: 16, 1024>}]} {
    %eq3A = arith.constant 0 : i32
    %eq3A_0 = arith.cmpi eq, %arg0, %eq3A : i32
    %convert_element_type3A = arith.extui %eq3A_0 : i1 to i32
    %cond3A = arith.constant 0 : i32
    %cond3A_1 = arith.cmpi ne, %convert_element_type3A, %cond3A : i32
    scf.if %cond3A_1 {
      %swap3A = arith.constant 0.000000e+00 : f32
      %swap3A_11 = arith.constant 0 : index
      %swap3A_12 = memref.load %arg10[%swap3A_11] : memref<2xf32, #tpu.memory_space<smem>>
      memref.store %swap3A, %arg10[%swap3A_11] : memref<2xf32, #tpu.memory_space<smem>>
      %swap3A_13 = arith.constant 0.000000e+00 : f32
      %swap3A_14 = arith.constant 1 : index
      %swap3A_15 = memref.load %arg10[%swap3A_14] : memref<2xf32, #tpu.memory_space<smem>>
      memref.store %swap3A_13, %arg10[%swap3A_14] : memref<2xf32, #tpu.memory_space<smem>>
    } else {
    }
    %lt3A = arith.constant 16 : i32
    %lt3A_2 = arith.cmpi slt, %arg0, %lt3A : i32
    %convert_element_type3A_3 = arith.extui %lt3A_2 : i1 to i32
    %cond3A_4 = arith.constant 0 : i32
    %cond3A_5 = arith.cmpi ne, %convert_element_type3A_3, %cond3A_4 : i32
    scf.if %cond3A_5 {
      %get3A = arith.constant 0 : index
      %get3A_11 = arith.constant 0 : index
      %get3A_12 = arith.constant 0 : index
      %get3A_13 = vector.load %arg1[%get3A, %get3A_11, %get3A_12] : memref<1x1x1024xi32, #tpu.memory_space<vmem>>, vector<1x1x1024xi32>
      %get3A_14 = vector.shape_cast %get3A_13 : vector<1x1x1024xi32> to vector<1024xi32>
      %broadcast_in_dim3A = vector.shape_cast %get3A_14 : vector<1024xi32> to vector<1024x1xi32>
      %iota3A = tpu.iota {dimensions = array<i32: 1>} : vector<1024x1000xi32>
      %eq3A_15 = vector.broadcast %broadcast_in_dim3A : vector<1024x1xi32> to vector<1024x1000xi32>
      %eq3A_16 = arith.cmpi eq, %eq3A_15, %iota3A : vector<1024x1000xi32>
      %convert_element_type3A_17 = arith.extui %eq3A_16 : vector<1024x1000xi1> to vector<1024x1000xi32>
      %convert_element_type3A_18 = arith.sitofp %convert_element_type3A_17 : vector<1024x1000xi32> to vector<1024x1000xf32>
      %convert_element_type3A_19 = arith.truncf %convert_element_type3A_18 : vector<1024x1000xf32> to vector<1024x1000xbf16>
      %get3A_20 = arith.constant 0 : index
      %get3A_21 = arith.constant 0 : index
      %get3A_22 = vector.load %arg5[%get3A_20, %get3A_21] : memref<1000x128xf32, #tpu.memory_space<vmem>>, vector<1000x128xf32>
      %convert_element_type3A_23 = arith.truncf %get3A_22 : vector<1000x128xf32> to vector<1000x128xbf16>
      %dot_general3A = arith.constant dense<0.000000e+00> : vector<1024x128xf32>
      %dot_general3A_24 = tpu.matmul %convert_element_type3A_19, %convert_element_type3A_23, %dot_general3A {dimension_numbers = #tpu.dot_dimension_numbers<[1], [0], [0], [1], [0, 0, 1, 1], [], []>, transpose_lhs_hint = false} : vector<1024x1000xbf16>, vector<1000x128xbf16>, vector<1024x128xf32> -> vector<1024x128xf32>
      %get3A_25 = arith.constant 0 : index
      %get3A_26 = arith.constant 0 : index
      %get3A_27 = vector.load %arg2[%get3A_25, %get3A_26] : memref<1024x256xf32, #tpu.memory_space<vmem>>, vector<1024x256xf32>
      %convert_element_type3A_28 = arith.truncf %get3A_27 : vector<1024x256xf32> to vector<1024x256xbf16>
      %get3A_29 = arith.constant 0 : index
      %get3A_30 = arith.constant 0 : index
      %get3A_31 = vector.load %arg3[%get3A_29, %get3A_30] : memref<256x128xf32, #tpu.memory_space<vmem>>, vector<256x128xf32>
      %convert_element_type3A_32 = arith.truncf %get3A_31 : vector<256x128xf32> to vector<256x128xbf16>
      %dot_general3A_33 = arith.constant dense<0.000000e+00> : vector<1024x128xf32>
      %dot_general3A_34 = tpu.matmul %convert_element_type3A_28, %convert_element_type3A_32, %dot_general3A_33 {dimension_numbers = #tpu.dot_dimension_numbers<[1], [0], [0], [1], [0, 0, 1, 1], [], []>, transpose_lhs_hint = false} : vector<1024x256xbf16>, vector<256x128xbf16>, vector<1024x128xf32> -> vector<1024x128xf32>
      %get3A_35 = arith.constant 0 : index
      %get3A_36 = arith.constant 0 : index
      %get3A_37 = vector.load %arg4[%get3A_35, %get3A_36] : memref<1x128xf32, #tpu.memory_space<vmem>>, vector<1x128xf32>
      %add3A = vector.broadcast %get3A_37 : vector<1x128xf32> to vector<1024x128xf32>
      %add3A_38 = arith.addf %dot_general3A_34, %add3A : vector<1024x128xf32>
      %mul3A = arith.mulf %add3A_38, %dot_general3A_24 : vector<1024x128xf32>
      %get3A_39 = arith.constant 0 : index
      %get3A_40 = arith.constant 0 : index
      %get3A_41 = vector.load %arg6[%get3A_39, %get3A_40] : memref<1x128xf32, #tpu.memory_space<vmem>>, vector<1x128xf32>
      %mul3A_42 = vector.broadcast %get3A_41 : vector<1x128xf32> to vector<1024x128xf32>
      %mul3A_43 = arith.mulf %mul3A, %mul3A_42 : vector<1024x128xf32>
      %reduce_sum3A = arith.constant dense<0.000000e+00> : vector<1024xf32>
      %reduce_sum3A_44 = vector.multi_reduction <add>, %mul3A_43, %reduce_sum3A [1] : vector<1024x128xf32> to vector<1024xf32>
      %get3A_45 = arith.constant 0 : index
      %get3A_46 = arith.constant 0 : index
      %get3A_47 = vector.load %arg7[%get3A_45, %get3A_46] : memref<1x1xf32, #tpu.memory_space<vmem>>, vector<1x1xf32>
      %get3A_48 = vector.extract %get3A_47[0, 0] : f32 from vector<1x1xf32>
      %add3A_49 = vector.broadcast %get3A_48 : f32 to vector<1024xf32>
      %add3A_50 = arith.addf %reduce_sum3A_44, %add3A_49 : vector<1024xf32>
      %broadcast_in_dim3A_51 = vector.shape_cast %add3A_50 : vector<1024xf32> to vector<1x1024xf32>
      %swap3A = arith.index_cast %arg0 : i32 to index
      %swap3A_52 = arith.constant 0 : index
      %swap3A_53 = vector.load %arg9[%swap3A, %swap3A_52] : memref<16x1024xf32, #tpu.memory_space<vmem>>, vector<1x1024xf32>
      tpu.vector_store %arg9[%swap3A, %swap3A_52], %broadcast_in_dim3A_51 {strides = array<i32>} : memref<16x1024xf32, #tpu.memory_space<vmem>>, vector<1x1024xf32>,
      %get3A_54 = arith.constant 0 : index
      %get3A_55 = memref.load %arg10[%get3A_54] : memref<2xf32, #tpu.memory_space<smem>>
      %reduce_sum3A_56 = vector.shape_cast %add3A_50 : vector<1024xf32> to vector<1x1024xf32>
      %reduce_sum3A_57 = arith.constant dense<0.000000e+00> : vector<1xf32>
      %reduce_sum3A_58 = vector.multi_reduction <add>, %reduce_sum3A_56, %reduce_sum3A_57 [1] : vector<1x1024xf32> to vector<1xf32>
      %reduce_sum3A_59 = vector.shape_cast %reduce_sum3A_58 : vector<1xf32> to vector<1x1xf32>
      %reduce_sum3A_60 = vector.extract %reduce_sum3A_59[0, 0] : f32 from vector<1x1xf32>
      %add3A_61 = arith.addf %get3A_55, %reduce_sum3A_60 : f32
      %swap3A_62 = arith.constant 0 : index
      %swap3A_63 = memref.load %arg10[%swap3A_62] : memref<2xf32, #tpu.memory_space<smem>>
      memref.store %add3A_61, %arg10[%swap3A_62] : memref<2xf32, #tpu.memory_space<smem>>
      %get3A_64 = arith.constant 1 : index
      %get3A_65 = memref.load %arg10[%get3A_64] : memref<2xf32, #tpu.memory_space<smem>>
      %mul3A_66 = arith.mulf %add3A_50, %add3A_50 : vector<1024xf32>
      %reduce_sum3A_67 = vector.shape_cast %mul3A_66 : vector<1024xf32> to vector<1x1024xf32>
      %reduce_sum3A_68 = arith.constant dense<0.000000e+00> : vector<1xf32>
      %reduce_sum3A_69 = vector.multi_reduction <add>, %reduce_sum3A_67, %reduce_sum3A_68 [1] : vector<1x1024xf32> to vector<1xf32>
      %reduce_sum3A_70 = vector.shape_cast %reduce_sum3A_69 : vector<1xf32> to vector<1x1xf32>
      %reduce_sum3A_71 = vector.extract %reduce_sum3A_70[0, 0] : f32 from vector<1x1xf32>
      %add3A_72 = arith.addf %get3A_65, %reduce_sum3A_71 : f32
      %swap3A_73 = arith.constant 1 : index
      %swap3A_74 = memref.load %arg10[%swap3A_73] : memref<2xf32, #tpu.memory_space<smem>>
      memref.store %add3A_72, %arg10[%swap3A_73] : memref<2xf32, #tpu.memory_space<smem>>
    } else {
    }
    %eq3A_6 = arith.constant 16 : i32
    %eq3A_7 = arith.cmpi eq, %arg0, %eq3A_6 : i32
    %convert_element_type3A_8 = arith.extui %eq3A_7 : i1 to i32
    %cond3A_9 = arith.constant 0 : i32
    %cond3A_10 = arith.cmpi ne, %convert_element_type3A_8, %cond3A_9 : i32
    scf.if %cond3A_10 {
      %get3A = arith.constant 0 : index
      %get3A_11 = memref.load %arg10[%get3A] : memref<2xf32, #tpu.memory_space<smem>>
      %get3A_12 = arith.constant 1 : index
      %get3A_13 = memref.load %arg10[%get3A_12] : memref<2xf32, #tpu.memory_space<smem>>
      %div3A = arith.constant 1.638400e+04 : f32
      %div3A_14 = arith.divf %get3A_11, %div3A : f32
      %mul3A = arith.mulf %get3A_11, %get3A_11 : f32
      %div3A_15 = arith.constant 1.638400e+04 : f32
      %div3A_16 = arith.divf %mul3A, %div3A_15 : f32
      %sub3A = arith.subf %get3A_13, %div3A_16 : f32
      %div3A_17 = arith.constant 1.638300e+04 : f32
      %div3A_18 = arith.divf %sub3A, %div3A_17 : f32
      %sqrt3A = math.sqrt %div3A_18 : f32
      %add3A = arith.constant 9.99999974E-6 : f32
      %add3A_19 = arith.addf %sqrt3A, %add3A : f32
      %div3A_20 = arith.constant 1.000000e+00 : f32
      %div3A_21 = arith.divf %div3A_20, %add3A_19 : f32
      %get3A_22 = arith.constant 0 : index
      %get3A_23 = arith.constant 0 : index
      %get3A_24 = vector.load %arg9[%get3A_22, %get3A_23] : memref<16x1024xf32, #tpu.memory_space<vmem>>, vector<16x1024xf32>
      %sub3A_25 = vector.broadcast %div3A_14 : f32 to vector<16x1024xf32>
      %sub3A_26 = arith.subf %get3A_24, %sub3A_25 : vector<16x1024xf32>
      %mul3A_27 = vector.broadcast %div3A_21 : f32 to vector<16x1024xf32>
      %mul3A_28 = arith.mulf %sub3A_26, %mul3A_27 : vector<16x1024xf32>
      %neg3A = arith.constant 0.000000e+00 : f32
      %neg3A_29 = vector.broadcast %neg3A : f32 to vector<16x1024xf32>
      %neg3A_30 = arith.subf %neg3A_29, %mul3A_28 : vector<16x1024xf32>
      %exp3A = math.exp %neg3A_30 : vector<16x1024xf32>
      %add3A_31 = arith.constant 1.000000e+00 : f32
      %add3A_32 = vector.broadcast %add3A_31 : f32 to vector<16x1024xf32>
      %add3A_33 = arith.addf %add3A_32, %exp3A : vector<16x1024xf32>
      %div3A_34 = arith.constant 1.000000e+00 : f32
      %div3A_35 = vector.broadcast %div3A_34 : f32 to vector<16x1024xf32>
      %div3A_36 = arith.divf %div3A_35, %add3A_33 : vector<16x1024xf32>
      %swap3A = arith.constant 0 : index
      %swap3A_37 = arith.constant 0 : index
      %swap3A_38 = vector.load %arg8[%swap3A, %swap3A_37] : memref<16x1024xf32, #tpu.memory_space<vmem>>, vector<16x1024xf32>
      tpu.vector_store %arg8[%swap3A, %swap3A_37], %div3A_36 {strides = array<i32>} : memref<16x1024xf32, #tpu.memory_space<vmem>>, vector<16x1024xf32>,
    } else {
    }
    return
  }
  func.func @transform_0(%arg0: i32) -> (i32, i32, i32) {
    %min3A = arith.constant 15 : i32
    %min3A_0 = arith.minsi %arg0, %min3A : i32
    %c0_i32 = arith.constant 0 : i32
    %c0_i32_1 = arith.constant 0 : i32
    %c0_i32_2 = arith.constant 0 : i32
    return %min3A_0, %c0_i32, %c0_i32_1 : i32, i32, i32
  }
  func.func @transform_1(%arg0: i32) -> (i32, i32) {
    %min3A = arith.constant 15 : i32
    %min3A_0 = arith.minsi %arg0, %min3A : i32
    %c0_i32 = arith.constant 0 : i32
    %c0_i32_1 = arith.constant 0 : i32
    return %min3A_0, %c0_i32 : i32, i32
  }
  func.func @transform_2(%arg0: i32) -> (i32, i32) {
    %c0_i32 = arith.constant 0 : i32
    %c0_i32_0 = arith.constant 0 : i32
    %c0_i32_1 = arith.constant 0 : i32
    return %c0_i32, %c0_i32_0 : i32, i32
  }
  func.func @transform_3(%arg0: i32) -> (i32, i32) {
    %c0_i32 = arith.constant 0 : i32
    %c0_i32_0 = arith.constant 0 : i32
    %c0_i32_1 = arith.constant 0 : i32
    return %c0_i32, %c0_i32_0 : i32, i32
  }
  func.func @transform_4(%arg0: i32) -> (i32, i32) {
    %c0_i32 = arith.constant 0 : i32
    %c0_i32_0 = arith.constant 0 : i32
    %c0_i32_1 = arith.constant 0 : i32
    return %c0_i32, %c0_i32_0 : i32, i32
  }
  func.func @transform_5(%arg0: i32) -> (i32, i32) {
    %c0_i32 = arith.constant 0 : i32
    %c0_i32_0 = arith.constant 0 : i32
    %c0_i32_1 = arith.constant 0 : i32
    return %c0_i32, %c0_i32_0 : i32, i32
  }
  func.func @transform_6(%arg0: i32) -> (i32, i32) {
    %c0_i32 = arith.constant 0 : i32
    %c0_i32_0 = arith.constant 0 : i32
    %c0_i32_1 = arith.constant 0 : i32
    return %c0_i32, %c0_i32_0 : i32, i32
  }
  func.func @transform_7(%arg0: i32) -> (i32, i32) {
    %c0_i32 = arith.constant 0 : i32
    %c0_i32_0 = arith.constant 0 : i32
    %c0_i32_1 = arith.constant 0 : i32
    return %c0_i32, %c0_i32_0 : i32, i32
  }
}

</mosaic_0001>

<sc_bundles>
// kernel: kernel.4.cloned.1.call-start
scs
__scs_entry_jumppad:
0x0: {  	(pc) =	sbr.rel $0x88, $3  }
0x1: {  	(tag) =	ssettag $0x0;
	lr =	simm.s32 $0x1  }
0x2: {  	[smem:$0x3F99] =	sst lr;
	_ =	strace $0xD0000000  }
0x3: {  	_ = 	snop  }
0x4: {  	_ = 	snop  }
0x5: {  	_ = 	snop  }
0x6: {  	_ = 	snop  }
0x7: {  	_ = 	snop  }
__scs_overlays_trampoline_lowered:
0x8: {  	[smem:$0x3FA8] =	sst s0  }
0x9: {  	[smem:$0x3FA9] =	sst s1  }
0xa: {  	[smem:$0x3FAA] =	sst s2  }
0xb: {  	[smem:$0x3FAB] =	sst s3  }
0xc: {  	[smem:$0x3FAC] =	sst s4  }
0xd: {  	[smem:$0x3FAD] =	sst s5  }
0xe: {  	[smem:$0x3FAE] =	sst s6  }
0xf: {  	[smem:$0x3FAF] =	sst s7  }
0x10: {  	[smem:$0x3FB0] =	sst s8  }
0x11: {  	[smem:$0x3FB1] =	sst s9;
	s0 =	simm.s32 @!p0 $0x0  }
0x12: {  	s1 =	sld [smem:$0x3F97];
	s0 =	simm.s32 @p0 $0x1  }
0x13: {  	[smem:$0x3FB2] =	sst s0;
	s0 =	simm.s32 @!p1 $0x0  }
0x14: {  	s2 =	sld [smem:$0x3F96];
	s0 =	simm.s32 @p1 $0x1  }
0x15: {  	[smem:$0x3FB3] =	sst s0;
	s0 =	simm.s32 @!p2 $0x0  }
0x16: {  	s3 =	sld [smem:$0x3FDB];
	s0 =	simm.s32 @p2 $0x1  }
0x17: {  	s4 =	simm.s32 $0x1BF5;
	[smem:$0x3FB5] =	sst s0  }
0x18: {  	s0 =	sld [smem:$0x3F98];
	_ =	swait.ge [sflag:s4], $0x0  }
0x19: {  	s7 =	sld [smem:$0x3F99]  }
0x1a: {  	s8 =	sadd.s32 $0xFFFFE003, lr  }
0x1b: {  	s9 =	sadd.s32 $0xFFFFFEF7, lr;
	s5 =	simm.s32 $0xFFFFFFFF;
	p2 =	slt.u32 s8, $0xFFFFF086  }
0x1c: {  	p1 =	slt.u32 s9, $0xF7A;
	s5 =	simm.s32 @!p2 $0x0  }
0x1d: {  	s5 =	simm.s32 @p1 $0x1;
	p0 =	seq.s32 s7, s2  }
0x1e: {  	s7 =	smul.u32 @!p0 $0xF7A, s2;
	p2 =	seq.s32 @!p0 s5, $0x0  }
0x1f: {  	s9 =	smul.u32 $0xF7A, s1;
	s8 =	simm.s32 @!p0 $0x1BF5;
	p2 =	por !p2, p0  }
0x20: {  	[sflag:s8] =	ssyncset.s32 @!p0 $0xFFFFF086;
	s6 =	sadd.s32 @!p0 s3, s7;
	s7 =	simm.s32 @!p0 $0x108  }
0x21: {  	s3 =	sadd.s32 s3, s9;
	s6 =	sadd.s32 @!p0 $0x88, s6;
	s7 =	simm.s32 @p2 $0x1082  }
0x22: {  	[simem:s7], [sflag:s8] =	dma.local @!p0 [hbm:s6], $0xF7A  }
0x23: {  	s9 =	sor.u32 $0xD0000000, s2;
	s6 =	simm.s32 $0x108;
	_ =	swait.ge @!p0 [sflag:s8], $0x0  }
0x24: {  	s3 =	sadd.s32 $0x88, s3;
	s6 =	simm.s32 @!p1 $0x1082;
	[sflag:s4] =	ssyncset.s32 $0xFFFFF086  }
0x25: {  	[simem:s6], [sflag:s4] =	dma.local [hbm:s3], $0xF7A  }
0x26: {  	[smem:$0x3F99] =	sst s1;
	(tag) =	ssettag s2;
	_ =	strace s9  }
0x27: {  	s1 =	sld [smem:$0x3FA9]  }
0x28: {  	s2 =	sld [smem:$0x3FAA]  }
0x29: {  	s4 =	sld [smem:$0x3FAC]  }
0x2a: {  	p0 =	seq.s32 s5, $0x0;
	s5 =	sld [smem:$0x3FAD]  }
0x2b: {  	s6 =	sld [smem:$0x3FAE]  }
0x2c: {  	s7 =	sld [smem:$0x3FAF]  }
0x2d: {  	s3 =	simm.s32 $0x108;
	s8 =	sld [smem:$0x3FB0]  }
0x2e: {  	s3 =	simm.s32 @!p0 $0x1082;
	s9 =	sld [smem:$0x3FB1]  }
0x2f: {  	lr =	sadd.s32 s0, s3;
	s0 =	sld [smem:$0x3FA8]  }
0x30: {  	s3 =	sld [smem:$0x3FAB]  }
0x31: {  	[smem:$0x3FB4] =	sst s10  }
0x32: {  	s10 =	sld [smem:$0x3FB2];
	_ =	sdelay $0x3  }
0x33: {  	p0 =	seq.s32 s10, $0x1;
	s10 =	sld [smem:$0x3FB4];
	_ =	sdelay $0x3  }
0x34: {  	[smem:$0x3FB4] =	sst s10  }
0x35: {  	s10 =	sld [smem:$0x3FB3];
	_ =	sdelay $0x3  }
0x36: {  	p1 =	seq.s32 s10, $0x1;
	s10 =	sld [smem:$0x3FB4];
	_ =	sdelay $0x3  }
0x37: {  	[smem:$0x3FB4] =	sst s10  }
0x38: {  	s10 =	sld [smem:$0x3FB5]  }
0x39: {  	_ = 	snop;
	(pc) =	sbr.ind lr, $3  }
0x3a: {  	_ = 	snop  }
0x3b: {  	_ = 	snop  }
0x3c: {  	p2 =	seq.s32 s10, $0x1;
	s10 =	sld [smem:$0x3FB4]  }
0x3d: {  	_ =	shalt  }
0x3e: {  	_ =	shalt  }
0x3f: {  	_ =	shalt  }
0x40: {  	_ =	shalt  }
0x41: {  	_ =	shalt  }
0x42: {  	_ =	shalt  }
0x43: {  	_ =	shalt  }
0x44: {  	_ =	shalt  }
0x45: {  	_ =	shalt  }
0x46: {  	_ =	shalt  }
0x47: {  	_ =	shalt  }
0x48: {  	_ =	shalt  }
0x49: {  	_ =	shalt  }
0x4a: {  	_ =	shalt  }
0x4b: {  	_ =	shalt  }
0x4c: {  	_ =	shalt  }
0x4d: {  	_ =	shalt  }
0x4e: {  	_ =	shalt  }
0x4f: {  	_ =	shalt  }
0x50: {  	_ =	shalt  }
0x51: {  	_ =	shalt  }
0x52: {  	_ =	shalt  }
0x53: {  	_ =	shalt  }
0x54: {  	_ =	shalt  }
0x55: {  	_ =	shalt  }
0x56: {  	_ =	shalt  }
0x57: {  	_ =	shalt  }
0x58: {  	_ =	shalt  }
0x59: {  	_ =	shalt  }
0x5a: {  	_ =	shalt  }
0x5b: {  	_ =	shalt  }
0x5c: {  	_ =	shalt  }
0x5d: {  	_ =	shalt  }
0x5e: {  	_ =	shalt  }
0x5f: {  	_ =	shalt  }
0x60: {  	_ =	shalt  }
0x61: {  	_ =	shalt  }
0x62: {  	_ =	shalt  }
0x63: {  	_ =	shalt  }
0x64: {  	_ =	shalt  }
0x65: {  	_ =	shalt  }
0x66: {  	_ =	shalt  }
0x67: {  	_ =	shalt  }
0x68: {  	_ =	shalt  }
0x69: {  	_ =	shalt  }
0x6a: {  	_ =	shalt  }
0x6b: {  	_ =	shalt  }
0x6c: {  	_ =	shalt  }
0x6d: {  	_ =	shalt  }
0x6e: {  	_ =	shalt  }
0x6f: {  	_ =	shalt  }
0x70: {  	_ =	shalt  }
0x71: {  	_ =	shalt  }
0x72: {  	_ =	shalt  }
0x73: {  	_ =	shalt  }
0x74: {  	_ =	shalt  }
0x75: {  	_ =	shalt  }
0x76: {  	_ =	shalt  }
0x77: {  	_ =	shalt  }
0x78: {  	_ =	shalt  }
0x79: {  	_ =	shalt  }
0x7a: {  	_ =	shalt  }
0x7b: {  	_ =	shalt  }
0x7c: {  	_ =	shalt  }
0x7d: {  	_ =	shalt  }
0x7e: {  	_ =	shalt  }
0x7f: {  	_ =	shalt  }
0x80: {  	_ =	shalt  }
0x81: {  	_ =	shalt  }
0x82: {  	_ =	shalt  }
0x83: {  	_ =	shalt  }
0x84: {  	_ =	shalt  }
0x85: {  	_ =	shalt  }
0x86: {  	_ =	shalt  }
0x87: {  	_ =	shalt  }
.Lfunc_end0:
.L_simem_size_0:
called_computation_lowered:
.L_overlay_start_0:
0x88: {  	s2 =	sld [smem:$0x3FD9]  }
0x89: {  	s3 =	sld [smem:$0x3FFE];
	_ =	sdelay $0x1  }
0x8a: {  	s1 =	srdreg.scid  }
0x8b: {  	s0 =	sand.u32 $0x1, s1  }
0x8c: {  	s17 =	sshll.u32 s0, $0xA;
	s2 =	sadd.s32 s3, s2  }
0x8d: {  	s2 =	sadd.s32 s2, s17  }
0x8e: {  	[smem:$0x3FC0] =	sst s2  }
0x8f: {  	_ = 	snop  }
0x90: {  	s2 =	sld [smem:$0x3FD0];
	(tm) =	ssettm $0x1  }
0x91: {  	s18 =	sld [smem:$0x3FFB];
	_ =	sdelay $0x3  }
0x92: {  	_ =	strace s18  }
0x93: {  	s3 =	sld [smem:$0x3FFC];
	_ =	sdelay $0x3  }
0x94: {  	_ =	strace s3  }
0x95: {  	s3 =	sld [smem:$0x3FFD];
	_ =	sdelay $0x3  }
0x96: {  	_ =	strace s3  }
0x97: {  	_ =	strace $0x8FFFFFFF  }
0x98: {  	s19 =	sld [smem:$0x3FDB];
	_ =	sdelay $0x1  }
0x99: {  	s4 =	simm.s32 $_scs_section_size  }
0x9a: {  	s5 =	simm.s32 $_size__tile_overlayer_lowered;
	s6 =	simm.s32 $_tile_overlayer_lowered  }
0x9b: {  	s22 =	simm.s32 $0x1BFF;
	s21 =	sshll.u32 s6, $0x1;
	s3 =	sadd.s32 s4, s19  }
0x9c: {  	s7 =	simm.s32 $0x0;
	s20 =	sshll.u32 s5, $0x1;
	s5 =	sadd.s32 s21, s3  }
0x9d: {  	[timem:s7], [sflag:s22] =	dma.local [hbm:s5], s20  }
0x9e: {  	_ =	swait.ge [sflag:s22], s20  }
0x9f: {  	s4 =	ssub.s32 $0x0, s20;
	[sflag:s22] =	ssyncset.done $0x0  }
0xa0: {  	[sflag:s22] =	ssyncadd.s32 s4;
	_ =	sdelay $0x1  }
0xa1: {  	s23 =	simm.s32 $0x1B8B  }
0xa2: {  	_ =	swait.ge [sflag:s23], $0x1  }
0xa3: {  	[sflag:s23] =	ssyncset.done $0x0  }
0xa4: {  	s25 =	simm.s32 $0x1B8E;
	s24 =	sld [smem:$0x3FFE];
	[sflag:s23] =	ssyncadd.s32 $0xFFFFFFFF  }
0xa5: {  	s26 =	simm.s32 $execute0_lowered;
	[smem:$0x3FD2] =	sst s25  }
0xa6: {  	s5 =	sshll.u32 s26, $0x1;
	_ =	strace $0x80000046;
	[dreg:$0x1] =	wrdreg $0xFFFFFFFF  }
0xa7: {  	s28 =	simm.s32 $_size_execute0_lowered;
	s3 =	sadd.s32 s3, s5;
	[dreg:$0x0] =	wrdreg $0x0  }
0xa8: {  	s5 =	sshll.u32 s28, $0x1;
	[dreg:$0x2] =	wrdreg s3  }
0xa9: {  	[dreg:$0x3] =	wrdreg s5  }
0xaa: {  	[dreg:$0x4] =	wrdreg $0xC0  }
0xab: {  	_ =	task [dreg:s7], $0x5FFFF  }
0xac: {  	[dreg:$0x1] =	wrdreg $0xFFFFFFFF  }
0xad: {  	[dreg:$0x0] =	wrdreg $0x60  }
0xae: {  	[dreg:$0x2] =	wrdreg s2  }
0xaf: {  	[dreg:$0x3] =	wrdreg s24  }
0xb0: {  	[dreg:$0x4] =	wrdreg $0x9  }
0xb1: {  	_ =	task.clear_ibuf [dreg:s7], $0x5FFFF;
	_ =	strace $0x90000046  }
0xb2: {  	s29 =	simm.s32 $0x9;
	_ =	strace $0x80000048  }
0xb3: {  	_ =	swait.ge [sflag:s29], $0x1  }
0xb4: {  	[sflag:s29] =	ssyncadd.s32 $0xFFFFFFFF  }
0xb5: {  	_ =	strace $0x90000048  }
0xb6: {  	_ =	sfence  }
0xb7: {  	s30 =	sld [smem:$0x0];
	_ =	sdelay $0x2  }
0xb8: {  	s31 =	sshll.u32 s1, $0xD;
	s1 =	sshrl.u32 s1, $0x2  }
0xb9: {  	s3 =	sand.u32 $0x4000, s31;
	s1 =	sadd.s32 s1, s30  }
0xba: {  	s0 =	sor.u32 s3, s0;
	s1 =	sshll.u32 s1, $0x11  }
0xbb: {  	s0 =	sor.u32 s1, s0  }
0xbc: {  	s0 =	sadd.s32 $0x8F2B, s0  }
0xbd: {  	[sflag:s0] =	ssyncadd.remote.s32 $0x1  }
0xbe: {  	_ =	sfence.sel $0xFFFF  }
0xbf: {  	[dreg:$0x0] =	wrdreg $0xFFFFFFFF;
	(pc) =	sbr.abs _section_cstart, $3  }
0xc0: {  	[dreg:$0x1] =	wrdreg $0xFFFFFFFF  }
0xc1: {  	_ =	task.clear_ibuf [dreg:s7], $0x2FFFF;
	_ =	strace $0x9FFFFFFF  }
0xc2: {  	(tm) =	ssettm $0x7FFFFFFF  }
0xc3: {  	_ =	shalt  }
tec
execute0_lowered:
.L_overlay_start_1:
0x0: {  	(tag) =	ssettag $0x1  }
0x1: {  	s1 =	rddreg [dreg:$0x0]  }
0x2: {  	s9 =	rddreg [dreg:$0x1]  }
0x3: {  	s0 =	rddreg [dreg:$0x2];
	s3 =	simm.s32 $0x0  }
0x4: {  	s4 =	srdreg.scid;
	s2 =	stileid.u32;
	s11 =	simm.s32 $0xBB80  }
0x5: {  	s12 =	simm.s32 $0x2;
	s13 =	simm.s32 $0xFC00;
	s14 =	simm.s32 $0x13C80  }
0x6: {  	s15 =	simm.s32 $0x17C80;
	s16 =	simm.s32 $0x1;
	s6 =	sand.u32 $0x1, s4  }
.Ltmp0:
0x7: {  	s7 =	sshll.u32 s2, $0x1;
	s8 =	ssub.s32 $0x2, s6;
	(pc) =	sbr.rel .LBB2_1-.Ltmp0, $4  }
0x8: {  	s17 =	simm.s32 $0x0;
	s6 =	sor.u32 s6, s7;
	s10 =	sshrl.u32 s8, $0x1  }
0x9: {  	[smem:$0x7FF] =	sst s3;
	s10 =	ssub.s32 s8, s10;
	s8 =	smul.u32 $0x7D000, s6  }
0xa: {  	v1 =	vlaneseq.u32;
	s4 =	sadd.s32 $0x1600, s9;
	s5 =	sadd.s32 $0xE00, s9;
	_ =	strace $0x80000047  }
0xb: {  	v2 =	vimm.s32 $0x0;
	v3 =	vimm.f32 $0.0e+00;
	s7 =	sadd.s32 $0x1E00, s9;
	s9 =	sadd.s32 $0x2000, s9;
	s10 =	smax.u32 s10, $0x1;
	v0 =	vmov s8  }
.LBB2_23:
0xc: {  	_ =	swait.ge [sflag:s16], $0x3E80  }
0xd: {  	[sflag:s16] =	ssyncset.done $0x0  }
0xe: {  	s17 =	sadd.s32 $0x1, s17;
	[sflag:s16] =	ssyncadd.s32 $0xFFFFC180  }
0xf: {  	p0 =	sne.s32 s17, s10;
	_ =	swait.ge [sflag:s16], $0x3E80  }
.Ltmp1:
0x10: {  	[sflag:s16] =	ssyncset.done $0x0;
	(pc) =	sbr.rel @!p0 .LBB2_24-.Ltmp1, $4  }
0x11: {  	[sflag:s16] =	ssyncadd.s32 $0xFFFFC180  }
0x12: {  	_ =	swait.ge [sflag:s16], $0x3E80  }
0x13: {  	[sflag:s16] =	ssyncset.done $0x0  }
0x14: {  	[sflag:s16] =	ssyncadd.s32 $0xFFFFC180  }
.LBB2_1:
0x15: {  	[tilespmem:s11], [sflag:$0x2] =	stream.linear.gather [hbm4b:s1+s3], $0x4000, $0x38;
	[tilespmem:$0x17D00] =	vst v63  }
0x16: {  	_ =	swait.ge [sflag:s12], $0x4000  }
0x17: {  	[sflag:s12] =	ssyncset.done $0x0  }
0x18: {  	[sflag:s12] =	ssyncadd.s32 $0xFFFFC000  }
0x19: {  	[tilespmem:s13], [sflag:$0x2] =	stream.linear.gather [hbm4b:s4+s3], $0x4000, $0x38;
	[tilespmem:$0x17D00] =	vst v63  }
0x1a: {  	_ =	swait.ge [sflag:s12], $0x4000  }
0x1b: {  	[sflag:s12] =	ssyncset.done $0x0  }
0x1c: {  	[sflag:s12] =	ssyncadd.s32 $0xFFFFC000  }
0x1d: {  	[tilespmem:s14], [sflag:$0x2] =	stream.linear.gather [hbm4b:s5+s3], $0x4000, $0x38;
	[tilespmem:$0x17D00] =	vst v63  }
0x1e: {  	_ =	swait.ge [sflag:s12], $0x4000  }
0x1f: {  	[sflag:s12] =	ssyncset.done $0x0  }
0x20: {  	[sflag:s12] =	ssyncadd.s32 $0xFFFFC000  }
0x21: {  	[tilespmem:s15], [sflag:$0x2] =	stream.linear.gather [hbm4b:s7+s3], $0x80, $0x38;
	[tilespmem:$0x17D00] =	vst v63  }
0x22: {  	_ =	swait.ge [sflag:s12], $0x80  }
0x23: {  	[sflag:s12] =	ssyncset.done $0x0  }
0x24: {  	[sflag:s12] =	ssyncadd.s32 $0xFFFFFF80  }
0x25: {  	v5 =	vld [tilespmem:s6+$0x17C80];
	_ =	sdelay $0x4  }
0x26: {  	(v2sf) =	vpush v5, $0x0  }
0x27: {  	(v2sf) =	vpush v5, $0x1;
	_ =	sdelay $0xd  }
0x28: {  	s18 =	spop (v2sf)  }
0x29: {  	s19 =	sshra.s32 s18, $0x1F;
	s20 =	spop (v2sf);
	s21 =	sand.u32 $0xF, s18  }
0x2a: {  	p0 =	slt.s32 s18, $0x1;
	s19 =	sshrl.u32 s19, $0x1C;
	s20 =	sadd.s32 $0xF, s20  }
0x2b: {  	p1 =	sne.s32 s21, $0x0;
	s21 =	simm.s32 $0x1;
	s19 =	sadd.s32 s19, s18  }
0x2c: {  	s29 =	sand.u32 $0xF, s20;
	p0 =	por !p0, !p1;
	p6 =	slt.s32 s20, $0x1  }
0x2d: {  	s31 =	sshra.s32 s20, $0x1F;
	p2 =	sne.s32 s29, $0x0;
	s30 =	sshra.s32 s19, $0x4  }
0x2e: {  	p0 =	por !p0, !p0;
	s19 =	sshrl.u32 s31, $0x1C;
	p1 =	por !p6, !p2  }
0x2f: {  	s19 =	sadd.s32 s19, s20;
	s20 =	simm.s32 $0x1;
	p1 =	por !p1, !p1  }
0x30: {  	s21 =	simm.s32 @!p0 $0x0;
	s19 =	sshra.s32 s19, $0x4;
	s20 =	simm.s32 @!p1 $0x0  }
0x31: {  	s22 =	ssub.s32 s30, s21;
	s18 =	ssub.s32 s19, s20  }
0x32: {  	p0 =	sge.s32 s22, s18  }
.Ltmp2:
0x33: {  	_ = 	snop;
	(pc) =	sbr.rel @p0 .LBB2_5-.Ltmp2, $2  }
0x34: {  	_ =	sdelay $0x2  }
0x35: {  	s19 =	simm.s32 $0x0  }
0x36: {  	s19 =	sshll.u32 s22, $0x6  }
0x37: {  	s20 =	sshra.s32 s19, $0x2  }
0x38: {  	s23 =	sadd.s32 $0xBB80, s20  }
0x39: {  	v6 =	vld [tilespmem:s23+$0x0];
	_ =	sdelay $0x1  }
0x3a: {  	v4 =	vbroadcast v5, $0x0;
	v5 =	vbroadcast v5, $0x1;
	s19 =	sshll.u32 s22, $0x4  }
0x3b: {  	v7 =	vor.u32 s19, v1  }
0x3c: {  	vm0 =	vge.s32 v7, v4;
	vm1 =	vlt.s32 v7, v5  }
0x3d: {  	vm0 =	vmand vm0, vm1;
	vm15 =	vgt.s32 v6, $0xFFFFFFFF  }
0x3e: {  	vm0 =	vmand vm0, vm15  }
0x3f: {  	s20 =	sadd.s32 $0xFC00, s20;
	v7 =	vsel vm0, $0x1, v2  }
0x40: {  	v8 =	vld [tilespmem:s20+$0x0];
	(xrf0) =	vadd.scan.msk.s32 $0xffff, v7;
	_ =	sdelay $0x1  }
0x41: {  	s21 =	simm.s32 $0x0  }
0x42: {  	v7 =	vmov s21  }
0x43: {  	v7 =	vadd.s32 $0xFFFFFFFF, v7  }
0x44: {  	v7 =	vbroadcast v7, $0x0  }
0x45: {  	v9, _, _ =	vpop (xrf0)  }
0x46: {  	s22 =	sadd.s32 $0x1, s22;
	v7 =	vadd.s32 v7, v9;
	(v2sf) =	vpush v9, $0xF  }
0x47: {  	p0 =	slt.s32 s22, s18;
	v8 =	vld.idx.msk [tilespmem:v8+s14+$0x0], $0xffff  }
.Ltmp3:
0x48: {  	_ = 	snop;
	(pc) =	sbr.rel @!p0 .LBB2_4-.Ltmp3, $4  }
0x49: {  	_ = 	snop  }
0x4a: {  	v6 =	vsub.s32 v6, v0  }
0x4b: {  	[tilespmem:v7+s11+$0x0] =	vst.idx.msk vm0, v6  }
0x4c: {  	s23 =	sadd.s32 $0x10, s23;
	[tilespmem:v7+s13+$0x0] =	vst.idx.msk vm0, v8  }
.LBB2_3:
0x4d: {  	v6 =	vld [tilespmem:s23+$0x0];
	s22 =	sadd.s32 $0x1, s22  }
0x4e: {  	p0 =	slt.s32 s22, s18  }
0x4f: {  	s19 =	sadd.s32 $0x10, s19  }
0x50: {  	v7 =	vor.u32 s19, v1  }
0x51: {  	vm0 =	vge.s32 v7, v4;
	vm1 =	vlt.s32 v7, v5  }
0x52: {  	vm0 =	vmand vm0, vm1;
	vm1 =	vgt.s32 v6, $0xFFFFFFFF;
	v6 =	vsub.s32 v6, v0  }
0x53: {  	s20 =	sadd.s32 $0x10, s20;
	vm0 =	vmand vm0, vm1  }
0x54: {  	v7 =	vld [tilespmem:s20+$0x0];
	v8 =	vsel vm0, $0x1, v2  }
0x55: {  	(xrf0) =	vadd.scan.msk.s32 $0xffff, v8;
	s24 =	spop (v2sf)  }
0x56: {  	s21 =	sadd.s32 s21, s24  }
0x57: {  	v8 =	vmov s21  }
0x58: {  	v8 =	vadd.s32 $0xFFFFFFFF, v8  }
0x59: {  	v8 =	vbroadcast v8, $0x0;
	_ =	sdelay $0x1  }
0x5a: {  	v9, _, _ =	vpop (xrf0)  }
0x5b: {  	v7 =	vld.idx.msk [tilespmem:v7+s14+$0x0], $0xffff;
	v8 =	vadd.s32 v8, v9;
	(v2sf) =	vpush v9, $0xF;
	_ =	sdelay $0x1  }
.Ltmp4:
0x5c: {  	(pc) =	sbr.rel @p0 .LBB2_3-.Ltmp4, $3  }
0x5d: {  	_ =	sdelay $0x1  }
0x5e: {  	[tilespmem:v8+s11+$0x0] =	vst.idx.msk vm0, v6  }
0x5f: {  	s23 =	sadd.s32 $0x10, s23;
	[tilespmem:v8+s13+$0x0] =	vst.idx.msk vm0, v7  }
.LBB2_4:
0x60: {  	_ =	sdelay $0x7  }
0x61: {  	s18 =	spop (v2sf)  }
0x62: {  	s19 =	sadd.s32 s21, s18  }
.LBB2_5:
0x63: {  	p0 =	sgt.s32 s19, $0x0  }
0x64: {  	s18 =	sadd.s32 @p0 $0xFFFFFFFF, s19;
	v5 =	vld.msk @p0 [tilespmem:s19+$0xBB7F ss:$0x0], $0xffff  }
0x65: {  	v6 =	vld.msk @p0 [tilespmem:s19+$0xFBFF ss:$0x0], $0xffff;
	s20 =	sand.u32 @p0 $0xFFFFFFF0, s18  }
0x66: {  	v4 =	vld @p0 [tilespmem:s20+$0xBB80]  }
0x67: {  	s30 =	sadd.s32 $0xF, s19;
	v7 =	vld @p0 [tilespmem:s20+$0xFC00]  }
0x68: {  	s21 =	sand.u32 $0xF, s30;
	s19 =	ssub.s32 @p0 s19, s20  }
0x69: {  	s31 =	sshra.s32 s30, $0x1F;
	p2 =	slt.s32 s30, $0x1;
	v9 =	vlaneseq.u32 @p0;
	p1 =	sne.s32 s21, $0x0;
	v8 =	vmov @p0 s19  }
0x6a: {  	s21 =	sshrl.u32 s31, $0x1C;
	p1 =	por !p2, !p1;
	vm0 =	vgt.s32 @p0 v8, v9  }
0x6b: {  	s18 =	sadd.s32 s21, s30;
	p1 =	por !p1, !p1;
	s19 =	simm.s32 $0x1;
	v4 =	vsel @p0 vm0, v4, v5  }
0x6c: {  	s21 =	simm.s32 $0x400;
	s18 =	sshra.s32 s18, $0x4;
	s19 =	simm.s32 @!p1 $0x0;
	[tilespmem:s20+$0xBB80] =	vst @p0 v4;
	v4 =	vsel @p0 vm0, v7, v6  }
0x6d: {  	s18 =	ssub.s32 s18, s19;
	s19 =	simm.s32 $0x0;
	[tilespmem:s20+$0xFC00] =	vst @p0 v4;
	s20 =	simm.s32 $0x0  }
.LBB2_6:
0x6e: {  	p0 =	sne.s32 s21, $0x2E800;
	[tilespmem:s20+$0xF0] =	vst v3  }
0x6f: {  	[tilespmem:s20+$0x0] =	vst v3  }
0x70: {  	[tilespmem:s20+$0x10] =	vst v3  }
0x71: {  	[tilespmem:s20+$0x20] =	vst v3  }
0x72: {  	[tilespmem:s20+$0x30] =	vst v3  }
0x73: {  	[tilespmem:s20+$0x40] =	vst v3  }
0x74: {  	[tilespmem:s20+$0x50] =	vst v3  }
0x75: {  	[tilespmem:s20+$0x60] =	vst v3  }
0x76: {  	[tilespmem:s20+$0x70] =	vst v3  }
0x77: {  	[tilespmem:s20+$0x80] =	vst v3  }
0x78: {  	[tilespmem:s20+$0x90] =	vst v3  }
.Ltmp5:
0x79: {  	[tilespmem:s20+$0xA0] =	vst v3;
	(pc) =	sbr.rel @p0 .LBB2_6-.Ltmp5, $4  }
0x7a: {  	[tilespmem:s20+$0xB0] =	vst v3  }
0x7b: {  	[tilespmem:s20+$0xC0] =	vst v3  }
0x7c: {  	[tilespmem:s20+$0xD0] =	vst v3  }
0x7d: {  	[tilespmem:s20+$0xE0] =	vst v3;
	s20 =	sshra.s32 s21, $0x2;
	s21 =	sadd.s32 $0x400, s21  }
0x7e: {  	[tilespmem:s20+$0xF0] =	vst v3  }
0x7f: {  	[tilespmem:s20+$0x0] =	vst v3  }
0x80: {  	[tilespmem:s20+$0x10] =	vst v3  }
0x81: {  	[tilespmem:s20+$0x20] =	vst v3  }
0x82: {  	[tilespmem:s20+$0x30] =	vst v3  }
0x83: {  	[tilespmem:s20+$0x40] =	vst v3  }
0x84: {  	[tilespmem:s20+$0x50] =	vst v3  }
0x85: {  	[tilespmem:s20+$0x60] =	vst v3  }
0x86: {  	[tilespmem:s20+$0x70] =	vst v3  }
0x87: {  	[tilespmem:s20+$0x80] =	vst v3  }
0x88: {  	[tilespmem:s20+$0x90] =	vst v3  }
.Ltmp6:
0x89: {  	[tilespmem:s20+$0xA0] =	vst v3;
	(pc) =	sbr.rel .LBB2_8-.Ltmp6, $4  }
0x8a: {  	[tilespmem:s20+$0xB0] =	vst v3  }
0x8b: {  	[tilespmem:s20+$0xC0] =	vst v3  }
0x8c: {  	[tilespmem:s20+$0xD0] =	vst v3  }
0x8d: {  	[tilespmem:s20+$0xE0] =	vst v3  }
.LBB2_10:
0x8e: {  	s19 =	sadd.s32 $0x1, s19  }
.LBB2_22:
0x8f: {  	p0 =	sne.s32 s19, $0x20  }
.Ltmp7:
0x90: {  	_ = 	snop;
	(pc) =	sbr.rel @!p0 .LBB2_23-.Ltmp7, $4  }
0x91: {  	s21 =	sadd.s32 s8, s21  }
0x92: {  	s21 =	sshrl.u32 s21, $0x3  }
0x93: {  	s21 =	sadd.s32 s9, s21  }
0x94: {  	[hbm4b:s21+s3] =	stream.linear.scatter [tilespmem:s20], [sflag:$0x1], $0x3E80, $0x38;
	[tilespmem:$0x17D00] =	vst v63  }
.LBB2_8:
0x95: {  	s20 =	smul.u32 $0xAB, s19;
	_ =	sdelay $0x1  }
0x96: {  	s20 =	sshrl.u32 s20, $0x9  }
0x97: {  	s20 =	sand.u32 $0x7F, s20  }
0x98: {  	s20 =	smul.u32 $0x3, s20  }
0x99: {  	p0 =	slt.u32 s19, $0x3  }
.Ltmp8:
0x9a: {  	s20 =	ssub.s32 s19, s20;
	(pc) =	sbr.rel @p0 .LBB2_14-.Ltmp8, $3  }
0x9b: {  	s20 =	sand.u32 $0xFF, s20  }
0x9c: {  	s20 =	smul.u32 $0x3E80, s20;
	_ =	sdelay $0x1  }
0x9d: {  	v4 =	vmov s20  }
0x9e: {  	p0 =	sgt.s32 s18, $0x0  }
.Ltmp9:
0x9f: {  	_ = 	snop;
	(pc) =	sbr.rel @!p0 .LBB2_10-.Ltmp9, $4  }
0xa0: {  	_ = 	snop  }
0xa1: {  	_ =	swait.ge [sflag:s16], $0x3E80  }
0xa2: {  	[sflag:s16] =	ssyncset.done $0x0  }
0xa3: {  	s21 =	smul.u32 $0x3E80, s19;
	[sflag:s16] =	ssyncadd.s32 $0xFFFFC180  }
0xa4: {  	p0 =	sne.s32 s18, $0x1  }
.Ltmp10:
0xa5: {  	_ = 	snop;
	(pc) =	sbr.rel @!p0 .LBB2_13-.Ltmp10, $4  }
0xa6: {  	_ = 	snop  }
0xa7: {  	s22 =	sadd.s32 $0xFFFF4480, s21  }
0xa8: {  	s23 =	sadd.s32 $0xFFFF8300, s21;
	v5 =	vmov s22;
	s22 =	simm.s32 $0xBB80  }
0xa9: {  	v7 =	vmov s23;
	s23 =	sadd.s32 $0xFFFFFFFF, s18;
	v6 =	vsub.s32 v4, v5;
	v8 =	vld [tilespmem:s22+$0x0]  }
.LBB2_12:
0xaa: {  	p0 =	sne.s32 s23, $0x1;
	_ =	sdelay $0x3  }
0xab: {  	vm0 =	vge.s32 v8, v5;
	vm1 =	vlt.s32 v8, v7  }
0xac: {  	vm0 =	vmand vm0, vm1  }
0xad: {  	v8 =	vadd.s32 v8, v6;
	_ =	sdelay $0x1  }
.Ltmp11:
0xae: {  	(pc) =	sbr.rel @p0 .LBB2_12-.Ltmp11, $3  }
0xaf: {  	_ =	sdelay $0x1  }
0xb0: {  	s22 =	sadd.s32 $0x10, s22;
	[tilespmem:v8+s3+$0x0] =	vst.idx.msk vm0, v3  }
0xb1: {  	s23 =	sadd.s32 $0xFFFFFFFF, s23;
	v8 =	vld [tilespmem:s22+$0x0]  }
.LBB2_13:
0xb2: {  	_ =	sdelay $0x3  }
0xb3: {  	vm0 =	vge.s32 v8, v5;
	vm1 =	vlt.s32 v8, v7  }
0xb4: {  	vm0 =	vmand vm0, vm1  }
0xb5: {  	v5 =	vadd.s32 v8, v6  }
.Ltmp12:
0xb6: {  	_ = 	snop;
	(pc) =	sbr.rel .LBB2_16-.Ltmp12, $3  }
0xb7: {  	s19 =	sadd.s32 $0x1, s19  }
0xb8: {  	s22 =	smul.u32 $0x3E80, s19;
	_ =	sdelay $0x1  }
0xb9: {  	v6 =	vmov s22;
	[tilespmem:v5+s3+$0x0] =	vst.idx.msk vm0, v3;
	v5 =	vmov s21  }
.LBB2_14:
0xba: {  	p0 =	slt.s32 s18, $0x1  }
.Ltmp13:
0xbb: {  	_ = 	snop;
	(pc) =	sbr.rel @p0 .LBB2_22-.Ltmp13, $2  }
0xbc: {  	_ =	sdelay $0x2  }
0xbd: {  	s21 =	smul.u32 $0x3E80, s19;
	s19 =	sadd.s32 $0x1, s19  }
0xbe: {  	_ = 	snop  }
0xbf: {  	s22 =	sadd.s32 $0x3E80, s21  }
0xc0: {  	v5 =	vmov s21;
	v6 =	vmov s22  }
.LBB2_16:
0xc1: {  	p1 =	sne.s32 s18, $0x1  }
.Ltmp14:
0xc2: {  	_ = 	snop;
	(pc) =	sbr.rel @!p1 .LBB2_17-.Ltmp14, $3  }
0xc3: {  	_ =	sdelay $0x1  }
0xc4: {  	s23 =	simm.s32 $0xBB80  }
0xc5: {  	v4 =	vsub.s32 v4, v5;
	s22 =	simm.s32 $0xFC00;
	p0 =	por $0x0, $0x0;
	v7 =	vld [tilespmem:s23+$0x0];
	s23 =	sadd.s32 $0xFFFFFFFF, s18  }
0xc6: {  	_ =	sdelay $0x3  }
0xc7: {  	vm0 =	vge.s32 v7, v5;
	vm1 =	vlt.s32 v7, v6  }
0xc8: {  	vm0 =	vmand vm0, vm1  }
0xc9: {  	v8 =	vld [tilespmem:s22+$0x0];
	v7 =	vadd.s32 v7, v4  }
0xca: {  	p1 =	sne.s32 s23, $0x1  }
.Ltmp15:
0xcb: {  	_ = 	snop;
	(pc) =	sbr.rel @!p1 .LBB2_19-.Ltmp15, $3  }
0xcc: {  	_ =	sdelay $0x1  }
0xcd: {  	s24 =	simm.s32 $0xBB90;
	[tilespmem:v7+s3+$0x0] =	vst.idx.msk vm0, v8  }
0xce: {  	s25 =	sadd.s32 $0xFFFFFFFF, s23;
	p0 =	por $0x1, $0x1;
	s23 =	simm.s32 $0xFC00;
	v7 =	vld [tilespmem:s24+$0x0]  }
.LBB2_20:
0xcf: {  	p1 =	sne.s32 s25, $0x1;
	_ =	sdelay $0x3  }
0xd0: {  	vm0 =	vge.s32 v7, v5;
	vm1 =	vlt.s32 v7, v6  }
0xd1: {  	s23 =	sadd.s32 $0x10, s23;
	vm0 =	vmand vm0, vm1  }
0xd2: {  	v7 =	vadd.s32 v7, v4;
	v8 =	vld [tilespmem:s23+$0x0];
	_ =	sdelay $0x1  }
.Ltmp16:
0xd3: {  	(pc) =	sbr.rel @p1 .LBB2_20-.Ltmp16, $3  }
0xd4: {  	_ =	sdelay $0x1  }
0xd5: {  	s24 =	sadd.s32 $0x10, s24;
	[tilespmem:v7+s3+$0x0] =	vst.idx.msk vm0, v8  }
0xd6: {  	s25 =	sadd.s32 $0xFFFFFFFF, s25;
	v7 =	vld [tilespmem:s24+$0x0]  }
.LBB2_21:
0xd7: {  	_ =	sdelay $0x3  }
0xd8: {  	s23 =	sadd.s32 @p0 $0x10, s23;
	vm0 =	vge.s32 v7, v5;
	vm1 =	vlt.s32 v7, v6  }
0xd9: {  	s22 =	smov.u32 @p0 s23;
	vm0 =	vmand vm0, vm1  }
0xda: {  	v5 =	vld [tilespmem:s22+$0x0];
	v4 =	vadd.s32 v7, v4  }
.Ltmp17:
0xdb: {  	_ = 	snop;
	(pc) =	sbr.rel .LBB2_22-.Ltmp17, $2  }
0xdc: {  	_ =	sdelay $0x2  }
0xdd: {  	[tilespmem:v4+s3+$0x0] =	vst.idx.msk vm0, v5  }
.LBB2_17:
.Ltmp18:
0xde: {  	(pc) =	sbr.rel .LBB2_21-.Ltmp18, $2  }
0xdf: {  	_ =	sdelay $0x2  }
0xe0: {  	s23 =	simm.s32 $0xFC00  }
.LBB2_19:
.Ltmp19:
0xe1: {  	(pc) =	sbr.rel .LBB2_21-.Ltmp19, $2  }
0xe2: {  	_ =	sdelay $0x2  }
0xe3: {  	s23 =	simm.s32 $0xFC00  }
.LBB2_24:
0xe4: {  	_ =	sfence.sel $0x180000  }
0xe5: {  	[bflag:$0x0] =	sbarrier.arrive $0xFFFF  }
0xe6: {  	p0 =	sne.s32 s2, $0x0;
	_ =	strace $0x90000047  }
0xe7: {  	s0 =	sadd.s32 @!p0 $0x100000, s0;
	[bflag:$0x2] =	sbarrier.arrive $0xFFFF  }
0xe8: {  	[sflag:s0] =	ssyncadd.tile.s32 @!p0 $0x1;
	_ =	shalt  }
.Lfunc_end2:
_tile_overlayer_lowered:
.L_overlay_start_2:
0xe9: {  	(tag) =	ssettag $0x2  }
0xea: {  	s0 =	rddreg [dreg:$0x0];
	s2 =	stileid.u32  }
0xeb: {  	s1 =	rddreg [dreg:$0x1];
	p0 =	sne.s32 s2, $0x0  }
0xec: {  	s3 =	rddreg [dreg:$0x2];
	[bflag:$0x3] =	sbarrier.arrive $0xFFFF;
	s2 =	simm.s32 @!p0 $0x1C02  }
0xed: {  	[timem:s3], [sflag:s2] =	dma.local @!p0 [hbm:s0], s1  }
0xee: {  	s0 =	simm.s32 @!p0 $0x2  }
0xef: {  	_ =	swait.ge @!p0 [sflag:s0], s1  }
0xf0: {  	s1 =	ssub.s32 @!p0 $0x0, s1;
	[sflag:s0] =	ssyncset.done @!p0 $0x0  }
0xf1: {  	[sflag:s0] =	ssyncadd.s32 @!p0 s1  }
0xf2: {  	[bflag:$0x3] =	sbarrier.arrive $0xFFFF  }
0xf3: {  	_ =	shalt  }

</sc_bundles>
